<compile_context>
chip_gen: v7x
topology: tpu7x:2x2x1
jax: 0.10.2.dev20260603
libtpu: 0.0.44.dev20260713+nightly
codegen_flags: <defaults>
</compile_context>

<pallas_src>
import functools

import jax
import jax.numpy as jnp
from jax import lax
from jax.experimental import pallas as pl
from jax.experimental.pallas import tpu as pltpu
from jax.experimental.pallas import tpu_sc as plsc

EMBED_DIM = 128
CHUNK = 128
NBUF = 6


@functools.cache
def _make_lookup(n_levels: int, n_total: int, d: int):
    info = plsc.get_sparse_core_info()
    nw = info.num_cores * info.num_subcores
    n_per_w = n_total // nw
    assert n_total % nw == 0 and n_per_w % CHUNK == 0
    m = n_per_w // CHUNK
    assert m > NBUF
    n_rounds = (m - NBUF) // NBUF
    tail = m - NBUF * n_rounds - NBUF

    mesh = plsc.VectorSubcoreMesh(core_axis_name="c", subcore_axis_name="s")

    @functools.partial(
        pl.kernel,
        mesh=mesh,
        out_type=jax.ShapeDtypeStruct((n_total, d), jnp.float32),
        scratch_types=[
            pltpu.VMEM((n_per_w,), jnp.int32),
            pltpu.VMEM((NBUF, CHUNK, d), jnp.float32),
            pltpu.VMEM_SHARED((n_levels, d), jnp.float32),
        ]
        + [pltpu.SemaphoreType.DMA] * (2 * NBUF + 1),
    )
    def lookup(table_hbm, idx_hbm, out_hbm, idx_v, rows_v, table_sp, *sems):
        gsem = sems[:NBUF]
        ssem = sems[NBUF:2 * NBUF]
        isem = sems[2 * NBUF]
        sid = lax.axis_index("s")
        wid = sid * info.num_cores + lax.axis_index("c")
        base = wid * n_per_w

        idx_cp = pltpu.make_async_copy(
            idx_hbm.at[pl.ds(base, n_per_w)], idx_v, isem
        )
        idx_cp.start()

        @pl.when(sid == 0)
        def _():
            pltpu.sync_copy(table_hbm, table_sp)

        idx_cp.wait()
        plsc.subcore_barrier()

        def gather(c, b):
            return pltpu.make_async_copy(
                table_sp.at[idx_v.at[pl.ds(c * CHUNK, CHUNK)]],
                rows_v.at[b],
                gsem[b],
            )

        def scatter(c, b):
            return pltpu.make_async_copy(
                rows_v.at[b],
                out_hbm.at[pl.ds(base + c * CHUNK, CHUNK)],
                ssem[b],
            )

        for b in range(NBUF):
            gather(b, b).start()

        def body(r, carry):
            c0 = NBUF * r
            for b in range(NBUF):
                gather(c0 + b, b).wait()
                scatter(c0 + b, b).start()
            for b in range(NBUF):
                scatter(c0 + b, b).wait()
                gather(c0 + NBUF + b, b).start()
            return carry

        lax.fori_loop(0, n_rounds, body, 0)

        c0 = NBUF * n_rounds
        for b in range(NBUF):
            gather(c0 + b, b).wait()
            scatter(c0 + b, b).start()
        for b in range(tail):
            scatter(c0 + b, b).wait()
            gather(c0 + NBUF + b, b).start()
        for b in range(tail):
            gather(c0 + NBUF + b, b).wait()
            scatter(c0 + NBUF + b, b).start()
        for b in range(tail, NBUF):
            scatter(c0 + b, b).wait()
        for b in range(tail):
            scatter(c0 + NBUF + b, b).wait()

    return lookup


def kernel(x, W):
    b, h = x.shape
    flat = x.reshape(b * h)
    out = _make_lookup(W.shape[0], b * h, W.shape[1])(W, flat)
    return out.reshape(b, h, W.shape[1])

# --- scband reference (transcript-rebuilt; emitter-appended) ---
"""Pipeline reference for scband-pcmembedding-40235253629014 (READ-ONLY COPY).

The authoritative reference and input builder live on the scoring server;
editing this copy changes nothing except your own understanding.
"""

import jax, jax.numpy as jnp
import numpy as np
import math as m

NUM_LEVELS = 256
EMBED_DIM = 128
BATCH = 1024
HIST = 200


def _build_weight(key):
    # Faithful to PCMEmbedding.__init__ initialization:
    # a = sqrt(12) * (rand(R, C) - 0.5); a[i, :] += sqrt(12) * (i - R/2); W = 0.1 * a
    a = m.sqrt(12.0) * (jax.random.uniform(key, (NUM_LEVELS, EMBED_DIM), dtype=jnp.float32) - 0.5)
    offsets = m.sqrt(12.0) * (jnp.arange(NUM_LEVELS, dtype=jnp.float32) - NUM_LEVELS / 2.0)
    a = a + offsets[:, None]
    return 0.1 * a


def setup_inputs(seed: int = 0) -> dict:
    key = jax.random.key(seed)
    k1, k2 = jax.random.split(key)
    W = _build_weight(k1)
    x = jax.random.randint(k2, (BATCH, HIST), 0, NUM_LEVELS, dtype=jnp.int32)
    return {"x": x, "W": W}


def reference(x, W):
    # forward: embedding lookup -> W[x]
    return jnp.take(W, x, axis=0)

if __name__ == "__main__":
    import jax
    _d = setup_inputs()
    print(jax.jit(kernel)(*tuple(_d.values())))

</pallas_src>

<mosaic_0001>
#map = affine_map<(d0, d1) -> (0, 0)>
#map1 = affine_map<(d0, d1) -> (0)>
module attributes {stable_mosaic.version = 14 : i64} {
  func.func @lookup(%arg0: i32, %arg1: i32, %arg2: memref<256x128xf32, #tpu.memory_space<hbm>>, %arg3: memref<204800xi32, #tpu.memory_space<hbm>>, %arg4: memref<204800x128xf32, #tpu.memory_space<hbm>>, %arg5: memref<6400xi32, #tpu.memory_space<vmem>>, %arg6: memref<6x128x128xf32, #tpu.memory_space<vmem>>, %arg7: memref<256x128xf32, #tpu.memory_space<vmem_shared>>, %arg8: memref<!tpu.dma_semaphore, #tpu.memory_space<semaphore_mem>>, %arg9: memref<!tpu.dma_semaphore, #tpu.memory_space<semaphore_mem>>, %arg10: memref<!tpu.dma_semaphore, #tpu.memory_space<semaphore_mem>>, %arg11: memref<!tpu.dma_semaphore, #tpu.memory_space<semaphore_mem>>, %arg12: memref<!tpu.dma_semaphore, #tpu.memory_space<semaphore_mem>>, %arg13: memref<!tpu.dma_semaphore, #tpu.memory_space<semaphore_mem>>, %arg14: memref<!tpu.dma_semaphore, #tpu.memory_space<semaphore_mem>>, %arg15: memref<!tpu.dma_semaphore, #tpu.memory_space<semaphore_mem>>, %arg16: memref<!tpu.dma_semaphore, #tpu.memory_space<semaphore_mem>>, %arg17: memref<!tpu.dma_semaphore, #tpu.memory_space<semaphore_mem>>, %arg18: memref<!tpu.dma_semaphore, #tpu.memory_space<semaphore_mem>>, %arg19: memref<!tpu.dma_semaphore, #tpu.memory_space<semaphore_mem>>, %arg20: memref<!tpu.dma_semaphore, #tpu.memory_space<semaphore_mem>>) attributes {dimension_semantics = [#tpu.dimension_semantics<core_parallel>, #tpu.dimension_semantics<subcore_parallel>], iteration_bounds = array<i64: 2, 16>, scalar_prefetch = 0 : i64, scratch_operands = 16 : i64, tpu.core_type = #tpu.core_type<sc_vector_subcore>, window_params = [{transform_indices = #map}, {transform_indices = #map1}, {transform_indices = #map}]} {
    %mul3A = arith.constant 2 : i32
    %mul3A_0 = arith.muli %arg1, %mul3A : i32
    %add3A = arith.addi %mul3A_0, %arg0 : i32
    %mul3A_1 = arith.constant 6400 : i32
    %mul3A_2 = arith.muli %add3A, %mul3A_1 : i32
    %dma_start3A = tpu.memref_slice %arg3[%mul3A_2] : memref<204800xi32, #tpu.memory_space<hbm>> -> memref<6400xi32, #tpu.memory_space<hbm>>
    %dma_start3A_3 = tpu.memref_slice %arg3[%mul3A_2] : memref<204800xi32, #tpu.memory_space<hbm>> -> memref<6400xi32, #tpu.memory_space<hbm>>
    tpu.enqueue_dma source(%dma_start3A_3 : memref<6400xi32, #tpu.memory_space<hbm>>) target(%arg5 : memref<6400xi32, #tpu.memory_space<vmem>>) target_semaphore(%arg20 : memref<!tpu.dma_semaphore, #tpu.memory_space<semaphore_mem>>)
    %eq3A = arith.constant 0 : i32
    %eq3A_4 = arith.cmpi eq, %arg1, %eq3A : i32
    %convert_element_type3A = arith.extui %eq3A_4 : i1 to i32
    %cond3A = arith.constant 0 : i32
    %cond3A_5 = arith.cmpi ne, %convert_element_type3A, %cond3A : i32
    scf.if %cond3A_5 {
      "tpu.region"() ({
        %run_scoped3A = tpu.sem_alloc : memref<!tpu.dma_semaphore, #tpu.memory_space<semaphore_mem>>
        tpu.enqueue_dma source(%arg2 : memref<256x128xf32, #tpu.memory_space<hbm>>) target(%arg7 : memref<256x128xf32, #tpu.memory_space<vmem_shared>>) target_semaphore(%run_scoped3A : memref<!tpu.dma_semaphore, #tpu.memory_space<semaphore_mem>>)
        tpu.wait_dma2 semaphore(%run_scoped3A : memref<!tpu.dma_semaphore, #tpu.memory_space<semaphore_mem>>) src(%arg2 : memref<256x128xf32, #tpu.memory_space<hbm>>) dst(%arg7 : memref<256x128xf32, #tpu.memory_space<vmem_shared>>)
        tpu.yield
      }) : () -> ()
    } else {
    }
    %dma_wait3A = tpu.memref_slice %arg3[%mul3A_2] : memref<204800xi32, #tpu.memory_space<hbm>> -> memref<6400xi32, #tpu.memory_space<hbm>>
    %dma_wait3A_6 = tpu.memref_slice %arg3[%mul3A_2] : memref<204800xi32, #tpu.memory_space<hbm>> -> memref<6400xi32, #tpu.memory_space<hbm>>
    tpu.wait_dma2 semaphore(%arg20 : memref<!tpu.dma_semaphore, #tpu.memory_space<semaphore_mem>>) src(%dma_wait3A_6 : memref<6400xi32, #tpu.memory_space<hbm>>) dst(%arg5 : memref<6400xi32, #tpu.memory_space<vmem>>)
    %barrier3A = arith.constant 0 : index
    tpu.barrier barrier_id(%barrier3A)
    %dma_start3A_7 = arith.constant 0 : i32
    %dma_start3A_8 = arith.constant 0 : i32
    %dma_start3A_9 = arith.constant 0 : i32
    %dma_start3A_10 = tpu.memref_slice %arg6[%dma_start3A_7, %dma_start3A_8, %dma_start3A_9] : memref<6x128x128xf32, #tpu.memory_space<vmem>> -> memref<1x128x128xf32, #tpu.memory_space<vmem>>
    %dma_start3A_11 = tpu.memref_squeeze %dma_start3A_10 : memref<1x128x128xf32, #tpu.memory_space<vmem>> -> memref<128x128xf32, #tpu.memory_space<vmem>>
    %dma_start3A_12 = arith.constant 0 : i32
    %dma_start3A_13 = tpu.memref_slice %arg5[%dma_start3A_12] : memref<6400xi32, #tpu.memory_space<vmem>> -> memref<128xi32, #tpu.memory_space<vmem>>
    %dma_start3A_14 = arith.constant 0 : i32
    %dma_start3A_15 = arith.constant 0 : i32
    %dma_start3A_16 = tpu.memref_slice %arg7[%dma_start3A_14, %dma_start3A_15] : memref<256x128xf32, #tpu.memory_space<vmem_shared>> -> memref<256x128xf32, #tpu.memory_space<vmem_shared>>
    tpu.enqueue_indirect_dma source(%dma_start3A_16 : memref<256x128xf32, #tpu.memory_space<vmem_shared>>) target(%dma_start3A_11 : memref<128x128xf32, #tpu.memory_space<vmem>>) offsets(%dma_start3A_13 : memref<128xi32, #tpu.memory_space<vmem>>) semaphore(%arg8 : memref<!tpu.dma_semaphore, #tpu.memory_space<semaphore_mem>>)
    %dma_start3A_17 = arith.constant 1 : i32
    %dma_start3A_18 = arith.constant 0 : i32
    %dma_start3A_19 = arith.constant 0 : i32
    %dma_start3A_20 = tpu.memref_slice %arg6[%dma_start3A_17, %dma_start3A_18, %dma_start3A_19] : memref<6x128x128xf32, #tpu.memory_space<vmem>> -> memref<1x128x128xf32, #tpu.memory_space<vmem>>
    %dma_start3A_21 = tpu.memref_squeeze %dma_start3A_20 : memref<1x128x128xf32, #tpu.memory_space<vmem>> -> memref<128x128xf32, #tpu.memory_space<vmem>>
    %dma_start3A_22 = arith.constant 128 : i32
    %dma_start3A_23 = tpu.memref_slice %arg5[%dma_start3A_22] : memref<6400xi32, #tpu.memory_space<vmem>> -> memref<128xi32, #tpu.memory_space<vmem>>
    %dma_start3A_24 = arith.constant 0 : i32
    %dma_start3A_25 = arith.constant 0 : i32
    %dma_start3A_26 = tpu.memref_slice %arg7[%dma_start3A_24, %dma_start3A_25] : memref<256x128xf32, #tpu.memory_space<vmem_shared>> -> memref<256x128xf32, #tpu.memory_space<vmem_shared>>
    tpu.enqueue_indirect_dma source(%dma_start3A_26 : memref<256x128xf32, #tpu.memory_space<vmem_shared>>) target(%dma_start3A_21 : memref<128x128xf32, #tpu.memory_space<vmem>>) offsets(%dma_start3A_23 : memref<128xi32, #tpu.memory_space<vmem>>) semaphore(%arg9 : memref<!tpu.dma_semaphore, #tpu.memory_space<semaphore_mem>>)
    %dma_start3A_27 = arith.constant 2 : i32
    %dma_start3A_28 = arith.constant 0 : i32
    %dma_start3A_29 = arith.constant 0 : i32
    %dma_start3A_30 = tpu.memref_slice %arg6[%dma_start3A_27, %dma_start3A_28, %dma_start3A_29] : memref<6x128x128xf32, #tpu.memory_space<vmem>> -> memref<1x128x128xf32, #tpu.memory_space<vmem>>
    %dma_start3A_31 = tpu.memref_squeeze %dma_start3A_30 : memref<1x128x128xf32, #tpu.memory_space<vmem>> -> memref<128x128xf32, #tpu.memory_space<vmem>>
    %dma_start3A_32 = arith.constant 256 : i32
    %dma_start3A_33 = tpu.memref_slice %arg5[%dma_start3A_32] : memref<6400xi32, #tpu.memory_space<vmem>> -> memref<128xi32, #tpu.memory_space<vmem>>
    %dma_start3A_34 = arith.constant 0 : i32
    %dma_start3A_35 = arith.constant 0 : i32
    %dma_start3A_36 = tpu.memref_slice %arg7[%dma_start3A_34, %dma_start3A_35] : memref<256x128xf32, #tpu.memory_space<vmem_shared>> -> memref<256x128xf32, #tpu.memory_space<vmem_shared>>
    tpu.enqueue_indirect_dma source(%dma_start3A_36 : memref<256x128xf32, #tpu.memory_space<vmem_shared>>) target(%dma_start3A_31 : memref<128x128xf32, #tpu.memory_space<vmem>>) offsets(%dma_start3A_33 : memref<128xi32, #tpu.memory_space<vmem>>) semaphore(%arg10 : memref<!tpu.dma_semaphore, #tpu.memory_space<semaphore_mem>>)
    %dma_start3A_37 = arith.constant 3 : i32
    %dma_start3A_38 = arith.constant 0 : i32
    %dma_start3A_39 = arith.constant 0 : i32
    %dma_start3A_40 = tpu.memref_slice %arg6[%dma_start3A_37, %dma_start3A_38, %dma_start3A_39] : memref<6x128x128xf32, #tpu.memory_space<vmem>> -> memref<1x128x128xf32, #tpu.memory_space<vmem>>
    %dma_start3A_41 = tpu.memref_squeeze %dma_start3A_40 : memref<1x128x128xf32, #tpu.memory_space<vmem>> -> memref<128x128xf32, #tpu.memory_space<vmem>>
    %dma_start3A_42 = arith.constant 384 : i32
    %dma_start3A_43 = tpu.memref_slice %arg5[%dma_start3A_42] : memref<6400xi32, #tpu.memory_space<vmem>> -> memref<128xi32, #tpu.memory_space<vmem>>
    %dma_start3A_44 = arith.constant 0 : i32
    %dma_start3A_45 = arith.constant 0 : i32
    %dma_start3A_46 = tpu.memref_slice %arg7[%dma_start3A_44, %dma_start3A_45] : memref<256x128xf32, #tpu.memory_space<vmem_shared>> -> memref<256x128xf32, #tpu.memory_space<vmem_shared>>
    tpu.enqueue_indirect_dma source(%dma_start3A_46 : memref<256x128xf32, #tpu.memory_space<vmem_shared>>) target(%dma_start3A_41 : memref<128x128xf32, #tpu.memory_space<vmem>>) offsets(%dma_start3A_43 : memref<128xi32, #tpu.memory_space<vmem>>) semaphore(%arg11 : memref<!tpu.dma_semaphore, #tpu.memory_space<semaphore_mem>>)
    %dma_start3A_47 = arith.constant 4 : i32
    %dma_start3A_48 = arith.constant 0 : i32
    %dma_start3A_49 = arith.constant 0 : i32
    %dma_start3A_50 = tpu.memref_slice %arg6[%dma_start3A_47, %dma_start3A_48, %dma_start3A_49] : memref<6x128x128xf32, #tpu.memory_space<vmem>> -> memref<1x128x128xf32, #tpu.memory_space<vmem>>
    %dma_start3A_51 = tpu.memref_squeeze %dma_start3A_50 : memref<1x128x128xf32, #tpu.memory_space<vmem>> -> memref<128x128xf32, #tpu.memory_space<vmem>>
    %dma_start3A_52 = arith.constant 512 : i32
    %dma_start3A_53 = tpu.memref_slice %arg5[%dma_start3A_52] : memref<6400xi32, #tpu.memory_space<vmem>> -> memref<128xi32, #tpu.memory_space<vmem>>
    %dma_start3A_54 = arith.constant 0 : i32
    %dma_start3A_55 = arith.constant 0 : i32
    %dma_start3A_56 = tpu.memref_slice %arg7[%dma_start3A_54, %dma_start3A_55] : memref<256x128xf32, #tpu.memory_space<vmem_shared>> -> memref<256x128xf32, #tpu.memory_space<vmem_shared>>
    tpu.enqueue_indirect_dma source(%dma_start3A_56 : memref<256x128xf32, #tpu.memory_space<vmem_shared>>) target(%dma_start3A_51 : memref<128x128xf32, #tpu.memory_space<vmem>>) offsets(%dma_start3A_53 : memref<128xi32, #tpu.memory_space<vmem>>) semaphore(%arg12 : memref<!tpu.dma_semaphore, #tpu.memory_space<semaphore_mem>>)
    %dma_start3A_57 = arith.constant 5 : i32
    %dma_start3A_58 = arith.constant 0 : i32
    %dma_start3A_59 = arith.constant 0 : i32
    %dma_start3A_60 = tpu.memref_slice %arg6[%dma_start3A_57, %dma_start3A_58, %dma_start3A_59] : memref<6x128x128xf32, #tpu.memory_space<vmem>> -> memref<1x128x128xf32, #tpu.memory_space<vmem>>
    %dma_start3A_61 = tpu.memref_squeeze %dma_start3A_60 : memref<1x128x128xf32, #tpu.memory_space<vmem>> -> memref<128x128xf32, #tpu.memory_space<vmem>>
    %dma_start3A_62 = arith.constant 640 : i32
    %dma_start3A_63 = tpu.memref_slice %arg5[%dma_start3A_62] : memref<6400xi32, #tpu.memory_space<vmem>> -> memref<128xi32, #tpu.memory_space<vmem>>
    %dma_start3A_64 = arith.constant 0 : i32
    %dma_start3A_65 = arith.constant 0 : i32
    %dma_start3A_66 = tpu.memref_slice %arg7[%dma_start3A_64, %dma_start3A_65] : memref<256x128xf32, #tpu.memory_space<vmem_shared>> -> memref<256x128xf32, #tpu.memory_space<vmem_shared>>
    tpu.enqueue_indirect_dma source(%dma_start3A_66 : memref<256x128xf32, #tpu.memory_space<vmem_shared>>) target(%dma_start3A_61 : memref<128x128xf32, #tpu.memory_space<vmem>>) offsets(%dma_start3A_63 : memref<128xi32, #tpu.memory_space<vmem>>) semaphore(%arg13 : memref<!tpu.dma_semaphore, #tpu.memory_space<semaphore_mem>>)
    %scan3A = arith.constant 0 : i32
    %scan3A_67 = arith.constant 0 : i32
    %scan3A_68 = arith.constant 7 : i32
    %scan3A_69 = arith.addi %scan3A_67, %scan3A_68 : i32
    %scan3A_70 = arith.constant 1 : i32
    scf.for %scan3A_412 = %scan3A_67 to %scan3A_69 step %scan3A_70  : i32 {
      %mul3A_413 = arith.constant 6 : i32
      %mul3A_414 = arith.muli %mul3A_413, %scan3A_412 : i32
      %add3A_415 = arith.constant 0 : i32
      %add3A_416 = arith.addi %mul3A_414, %add3A_415 : i32
      %mul3A_417 = arith.constant 128 : i32
      %mul3A_418 = arith.muli %add3A_416, %mul3A_417 : i32
      %dma_wait3A_419 = arith.constant 0 : i32
      %dma_wait3A_420 = arith.constant 0 : i32
      %dma_wait3A_421 = arith.constant 0 : i32
      %dma_wait3A_422 = tpu.memref_slice %arg6[%dma_wait3A_419, %dma_wait3A_420, %dma_wait3A_421] : memref<6x128x128xf32, #tpu.memory_space<vmem>> -> memref<1x128x128xf32, #tpu.memory_space<vmem>>
      %dma_wait3A_423 = tpu.memref_squeeze %dma_wait3A_422 : memref<1x128x128xf32, #tpu.memory_space<vmem>> -> memref<128x128xf32, #tpu.memory_space<vmem>>
      %dma_wait3A_424 = tpu.memref_slice %arg5[%mul3A_418] : memref<6400xi32, #tpu.memory_space<vmem>> -> memref<128xi32, #tpu.memory_space<vmem>>
      %dma_wait3A_425 = arith.constant 0 : i32
      %dma_wait3A_426 = arith.constant 0 : i32
      %dma_wait3A_427 = tpu.memref_slice %arg7[%dma_wait3A_425, %dma_wait3A_426] : memref<256x128xf32, #tpu.memory_space<vmem_shared>> -> memref<256x128xf32, #tpu.memory_space<vmem_shared>>
      tpu.wait_indirect_dma semaphore(%arg8 : memref<!tpu.dma_semaphore, #tpu.memory_space<semaphore_mem>>) src(%dma_wait3A_427 : memref<256x128xf32, #tpu.memory_space<vmem_shared>>) dst(%dma_wait3A_423 : memref<128x128xf32, #tpu.memory_space<vmem>>)
      %add3A_428 = arith.constant 0 : i32
      %add3A_429 = arith.addi %mul3A_414, %add3A_428 : i32
      %mul3A_430 = arith.constant 128 : i32
      %mul3A_431 = arith.muli %add3A_429, %mul3A_430 : i32
      %add3A_432 = arith.addi %mul3A_2, %mul3A_431 : i32
      %dma_start3A_433 = arith.constant 0 : i32
      %dma_start3A_434 = arith.constant 0 : i32
      %dma_start3A_435 = arith.constant 0 : i32
      %dma_start3A_436 = tpu.memref_slice %arg6[%dma_start3A_433, %dma_start3A_434, %dma_start3A_435] : memref<6x128x128xf32, #tpu.memory_space<vmem>> -> memref<1x128x128xf32, #tpu.memory_space<vmem>>
      %dma_start3A_437 = tpu.memref_squeeze %dma_start3A_436 : memref<1x128x128xf32, #tpu.memory_space<vmem>> -> memref<128x128xf32, #tpu.memory_space<vmem>>
      %dma_start3A_438 = arith.constant 0 : i32
      %dma_start3A_439 = tpu.memref_slice %arg4[%add3A_432, %dma_start3A_438] : memref<204800x128xf32, #tpu.memory_space<hbm>> -> memref<128x128xf32, #tpu.memory_space<hbm>>
      %dma_start3A_440 = arith.constant 0 : i32
      %dma_start3A_441 = tpu.memref_slice %arg4[%add3A_432, %dma_start3A_440] : memref<204800x128xf32, #tpu.memory_space<hbm>> -> memref<128x128xf32, #tpu.memory_space<hbm>>
      %dma_start3A_442 = arith.constant 0 : i32
      %dma_start3A_443 = arith.constant 0 : i32
      %dma_start3A_444 = tpu.memref_slice %arg6[%dma_start3A_433, %dma_start3A_442, %dma_start3A_443] : memref<6x128x128xf32, #tpu.memory_space<vmem>> -> memref<1x128x128xf32, #tpu.memory_space<vmem>>
      %dma_start3A_445 = tpu.memref_squeeze %dma_start3A_444 : memref<1x128x128xf32, #tpu.memory_space<vmem>> -> memref<128x128xf32, #tpu.memory_space<vmem>>
      tpu.enqueue_dma source(%dma_start3A_445 : memref<128x128xf32, #tpu.memory_space<vmem>>) target(%dma_start3A_441 : memref<128x128xf32, #tpu.memory_space<hbm>>) target_semaphore(%arg14 : memref<!tpu.dma_semaphore, #tpu.memory_space<semaphore_mem>>)
      %add3A_446 = arith.constant 1 : i32
      %add3A_447 = arith.addi %mul3A_414, %add3A_446 : i32
      %mul3A_448 = arith.constant 128 : i32
      %mul3A_449 = arith.muli %add3A_447, %mul3A_448 : i32
      %dma_wait3A_450 = arith.constant 1 : i32
      %dma_wait3A_451 = arith.constant 0 : i32
      %dma_wait3A_452 = arith.constant 0 : i32
      %dma_wait3A_453 = tpu.memref_slice %arg6[%dma_wait3A_450, %dma_wait3A_451, %dma_wait3A_452] : memref<6x128x128xf32, #tpu.memory_space<vmem>> -> memref<1x128x128xf32, #tpu.memory_space<vmem>>
      %dma_wait3A_454 = tpu.memref_squeeze %dma_wait3A_453 : memref<1x128x128xf32, #tpu.memory_space<vmem>> -> memref<128x128xf32, #tpu.memory_space<vmem>>
      %dma_wait3A_455 = tpu.memref_slice %arg5[%mul3A_449] : memref<6400xi32, #tpu.memory_space<vmem>> -> memref<128xi32, #tpu.memory_space<vmem>>
      %dma_wait3A_456 = arith.constant 0 : i32
      %dma_wait3A_457 = arith.constant 0 : i32
      %dma_wait3A_458 = tpu.memref_slice %arg7[%dma_wait3A_456, %dma_wait3A_457] : memref<256x128xf32, #tpu.memory_space<vmem_shared>> -> memref<256x128xf32, #tpu.memory_space<vmem_shared>>
      tpu.wait_indirect_dma semaphore(%arg9 : memref<!tpu.dma_semaphore, #tpu.memory_space<semaphore_mem>>) src(%dma_wait3A_458 : memref<256x128xf32, #tpu.memory_space<vmem_shared>>) dst(%dma_wait3A_454 : memref<128x128xf32, #tpu.memory_space<vmem>>)
      %add3A_459 = arith.constant 1 : i32
      %add3A_460 = arith.addi %mul3A_414, %add3A_459 : i32
      %mul3A_461 = arith.constant 128 : i32
      %mul3A_462 = arith.muli %add3A_460, %mul3A_461 : i32
      %add3A_463 = arith.addi %mul3A_2, %mul3A_462 : i32
      %dma_start3A_464 = arith.constant 1 : i32
      %dma_start3A_465 = arith.constant 0 : i32
      %dma_start3A_466 = arith.constant 0 : i32
      %dma_start3A_467 = tpu.memref_slice %arg6[%dma_start3A_464, %dma_start3A_465, %dma_start3A_466] : memref<6x128x128xf32, #tpu.memory_space<vmem>> -> memref<1x128x128xf32, #tpu.memory_space<vmem>>
      %dma_start3A_468 = tpu.memref_squeeze %dma_start3A_467 : memref<1x128x128xf32, #tpu.memory_space<vmem>> -> memref<128x128xf32, #tpu.memory_space<vmem>>
      %dma_start3A_469 = arith.constant 0 : i32
      %dma_start3A_470 = tpu.memref_slice %arg4[%add3A_463, %dma_start3A_469] : memref<204800x128xf32, #tpu.memory_space<hbm>> -> memref<128x128xf32, #tpu.memory_space<hbm>>
      %dma_start3A_471 = arith.constant 0 : i32
      %dma_start3A_472 = tpu.memref_slice %arg4[%add3A_463, %dma_start3A_471] : memref<204800x128xf32, #tpu.memory_space<hbm>> -> memref<128x128xf32, #tpu.memory_space<hbm>>
      %dma_start3A_473 = arith.constant 0 : i32
      %dma_start3A_474 = arith.constant 0 : i32
      %dma_start3A_475 = tpu.memref_slice %arg6[%dma_start3A_464, %dma_start3A_473, %dma_start3A_474] : memref<6x128x128xf32, #tpu.memory_space<vmem>> -> memref<1x128x128xf32, #tpu.memory_space<vmem>>
      %dma_start3A_476 = tpu.memref_squeeze %dma_start3A_475 : memref<1x128x128xf32, #tpu.memory_space<vmem>> -> memref<128x128xf32, #tpu.memory_space<vmem>>
      tpu.enqueue_dma source(%dma_start3A_476 : memref<128x128xf32, #tpu.memory_space<vmem>>) target(%dma_start3A_472 : memref<128x128xf32, #tpu.memory_space<hbm>>) target_semaphore(%arg15 : memref<!tpu.dma_semaphore, #tpu.memory_space<semaphore_mem>>)
      %add3A_477 = arith.constant 2 : i32
      %add3A_478 = arith.addi %mul3A_414, %add3A_477 : i32
      %mul3A_479 = arith.constant 128 : i32
      %mul3A_480 = arith.muli %add3A_478, %mul3A_479 : i32
      %dma_wait3A_481 = arith.constant 2 : i32
      %dma_wait3A_482 = arith.constant 0 : i32
      %dma_wait3A_483 = arith.constant 0 : i32
      %dma_wait3A_484 = tpu.memref_slice %arg6[%dma_wait3A_481, %dma_wait3A_482, %dma_wait3A_483] : memref<6x128x128xf32, #tpu.memory_space<vmem>> -> memref<1x128x128xf32, #tpu.memory_space<vmem>>
      %dma_wait3A_485 = tpu.memref_squeeze %dma_wait3A_484 : memref<1x128x128xf32, #tpu.memory_space<vmem>> -> memref<128x128xf32, #tpu.memory_space<vmem>>
      %dma_wait3A_486 = tpu.memref_slice %arg5[%mul3A_480] : memref<6400xi32, #tpu.memory_space<vmem>> -> memref<128xi32, #tpu.memory_space<vmem>>
      %dma_wait3A_487 = arith.constant 0 : i32
      %dma_wait3A_488 = arith.constant 0 : i32
      %dma_wait3A_489 = tpu.memref_slice %arg7[%dma_wait3A_487, %dma_wait3A_488] : memref<256x128xf32, #tpu.memory_space<vmem_shared>> -> memref<256x128xf32, #tpu.memory_space<vmem_shared>>
      tpu.wait_indirect_dma semaphore(%arg10 : memref<!tpu.dma_semaphore, #tpu.memory_space<semaphore_mem>>) src(%dma_wait3A_489 : memref<256x128xf32, #tpu.memory_space<vmem_shared>>) dst(%dma_wait3A_485 : memref<128x128xf32, #tpu.memory_space<vmem>>)
      %add3A_490 = arith.constant 2 : i32
      %add3A_491 = arith.addi %mul3A_414, %add3A_490 : i32
      %mul3A_492 = arith.constant 128 : i32
      %mul3A_493 = arith.muli %add3A_491, %mul3A_492 : i32
      %add3A_494 = arith.addi %mul3A_2, %mul3A_493 : i32
      %dma_start3A_495 = arith.constant 2 : i32
      %dma_start3A_496 = arith.constant 0 : i32
      %dma_start3A_497 = arith.constant 0 : i32
      %dma_start3A_498 = tpu.memref_slice %arg6[%dma_start3A_495, %dma_start3A_496, %dma_start3A_497] : memref<6x128x128xf32, #tpu.memory_space<vmem>> -> memref<1x128x128xf32, #tpu.memory_space<vmem>>
      %dma_start3A_499 = tpu.memref_squeeze %dma_start3A_498 : memref<1x128x128xf32, #tpu.memory_space<vmem>> -> memref<128x128xf32, #tpu.memory_space<vmem>>
      %dma_start3A_500 = arith.constant 0 : i32
      %dma_start3A_501 = tpu.memref_slice %arg4[%add3A_494, %dma_start3A_500] : memref<204800x128xf32, #tpu.memory_space<hbm>> -> memref<128x128xf32, #tpu.memory_space<hbm>>
      %dma_start3A_502 = arith.constant 0 : i32
      %dma_start3A_503 = tpu.memref_slice %arg4[%add3A_494, %dma_start3A_502] : memref<204800x128xf32, #tpu.memory_space<hbm>> -> memref<128x128xf32, #tpu.memory_space<hbm>>
      %dma_start3A_504 = arith.constant 0 : i32
      %dma_start3A_505 = arith.constant 0 : i32
      %dma_start3A_506 = tpu.memref_slice %arg6[%dma_start3A_495, %dma_start3A_504, %dma_start3A_505] : memref<6x128x128xf32, #tpu.memory_space<vmem>> -> memref<1x128x128xf32, #tpu.memory_space<vmem>>
      %dma_start3A_507 = tpu.memref_squeeze %dma_start3A_506 : memref<1x128x128xf32, #tpu.memory_space<vmem>> -> memref<128x128xf32, #tpu.memory_space<vmem>>
      tpu.enqueue_dma source(%dma_start3A_507 : memref<128x128xf32, #tpu.memory_space<vmem>>) target(%dma_start3A_503 : memref<128x128xf32, #tpu.memory_space<hbm>>) target_semaphore(%arg16 : memref<!tpu.dma_semaphore, #tpu.memory_space<semaphore_mem>>)
      %add3A_508 = arith.constant 3 : i32
      %add3A_509 = arith.addi %mul3A_414, %add3A_508 : i32
      %mul3A_510 = arith.constant 128 : i32
      %mul3A_511 = arith.muli %add3A_509, %mul3A_510 : i32
      %dma_wait3A_512 = arith.constant 3 : i32
      %dma_wait3A_513 = arith.constant 0 : i32
      %dma_wait3A_514 = arith.constant 0 : i32
      %dma_wait3A_515 = tpu.memref_slice %arg6[%dma_wait3A_512, %dma_wait3A_513, %dma_wait3A_514] : memref<6x128x128xf32, #tpu.memory_space<vmem>> -> memref<1x128x128xf32, #tpu.memory_space<vmem>>
      %dma_wait3A_516 = tpu.memref_squeeze %dma_wait3A_515 : memref<1x128x128xf32, #tpu.memory_space<vmem>> -> memref<128x128xf32, #tpu.memory_space<vmem>>
      %dma_wait3A_517 = tpu.memref_slice %arg5[%mul3A_511] : memref<6400xi32, #tpu.memory_space<vmem>> -> memref<128xi32, #tpu.memory_space<vmem>>
      %dma_wait3A_518 = arith.constant 0 : i32
      %dma_wait3A_519 = arith.constant 0 : i32
      %dma_wait3A_520 = tpu.memref_slice %arg7[%dma_wait3A_518, %dma_wait3A_519] : memref<256x128xf32, #tpu.memory_space<vmem_shared>> -> memref<256x128xf32, #tpu.memory_space<vmem_shared>>
      tpu.wait_indirect_dma semaphore(%arg11 : memref<!tpu.dma_semaphore, #tpu.memory_space<semaphore_mem>>) src(%dma_wait3A_520 : memref<256x128xf32, #tpu.memory_space<vmem_shared>>) dst(%dma_wait3A_516 : memref<128x128xf32, #tpu.memory_space<vmem>>)
      %add3A_521 = arith.constant 3 : i32
      %add3A_522 = arith.addi %mul3A_414, %add3A_521 : i32
      %mul3A_523 = arith.constant 128 : i32
      %mul3A_524 = arith.muli %add3A_522, %mul3A_523 : i32
      %add3A_525 = arith.addi %mul3A_2, %mul3A_524 : i32
      %dma_start3A_526 = arith.constant 3 : i32
      %dma_start3A_527 = arith.constant 0 : i32
      %dma_start3A_528 = arith.constant 0 : i32
      %dma_start3A_529 = tpu.memref_slice %arg6[%dma_start3A_526, %dma_start3A_527, %dma_start3A_528] : memref<6x128x128xf32, #tpu.memory_space<vmem>> -> memref<1x128x128xf32, #tpu.memory_space<vmem>>
      %dma_start3A_530 = tpu.memref_squeeze %dma_start3A_529 : memref<1x128x128xf32, #tpu.memory_space<vmem>> -> memref<128x128xf32, #tpu.memory_space<vmem>>
      %dma_start3A_531 = arith.constant 0 : i32
      %dma_start3A_532 = tpu.memref_slice %arg4[%add3A_525, %dma_start3A_531] : memref<204800x128xf32, #tpu.memory_space<hbm>> -> memref<128x128xf32, #tpu.memory_space<hbm>>
      %dma_start3A_533 = arith.constant 0 : i32
      %dma_start3A_534 = tpu.memref_slice %arg4[%add3A_525, %dma_start3A_533] : memref<204800x128xf32, #tpu.memory_space<hbm>> -> memref<128x128xf32, #tpu.memory_space<hbm>>
      %dma_start3A_535 = arith.constant 0 : i32
      %dma_start3A_536 = arith.constant 0 : i32
      %dma_start3A_537 = tpu.memref_slice %arg6[%dma_start3A_526, %dma_start3A_535, %dma_start3A_536] : memref<6x128x128xf32, #tpu.memory_space<vmem>> -> memref<1x128x128xf32, #tpu.memory_space<vmem>>
      %dma_start3A_538 = tpu.memref_squeeze %dma_start3A_537 : memref<1x128x128xf32, #tpu.memory_space<vmem>> -> memref<128x128xf32, #tpu.memory_space<vmem>>
      tpu.enqueue_dma source(%dma_start3A_538 : memref<128x128xf32, #tpu.memory_space<vmem>>) target(%dma_start3A_534 : memref<128x128xf32, #tpu.memory_space<hbm>>) target_semaphore(%arg17 : memref<!tpu.dma_semaphore, #tpu.memory_space<semaphore_mem>>)
      %add3A_539 = arith.constant 4 : i32
      %add3A_540 = arith.addi %mul3A_414, %add3A_539 : i32
      %mul3A_541 = arith.constant 128 : i32
      %mul3A_542 = arith.muli %add3A_540, %mul3A_541 : i32
      %dma_wait3A_543 = arith.constant 4 : i32
      %dma_wait3A_544 = arith.constant 0 : i32
      %dma_wait3A_545 = arith.constant 0 : i32
      %dma_wait3A_546 = tpu.memref_slice %arg6[%dma_wait3A_543, %dma_wait3A_544, %dma_wait3A_545] : memref<6x128x128xf32, #tpu.memory_space<vmem>> -> memref<1x128x128xf32, #tpu.memory_space<vmem>>
      %dma_wait3A_547 = tpu.memref_squeeze %dma_wait3A_546 : memref<1x128x128xf32, #tpu.memory_space<vmem>> -> memref<128x128xf32, #tpu.memory_space<vmem>>
      %dma_wait3A_548 = tpu.memref_slice %arg5[%mul3A_542] : memref<6400xi32, #tpu.memory_space<vmem>> -> memref<128xi32, #tpu.memory_space<vmem>>
      %dma_wait3A_549 = arith.constant 0 : i32
      %dma_wait3A_550 = arith.constant 0 : i32
      %dma_wait3A_551 = tpu.memref_slice %arg7[%dma_wait3A_549, %dma_wait3A_550] : memref<256x128xf32, #tpu.memory_space<vmem_shared>> -> memref<256x128xf32, #tpu.memory_space<vmem_shared>>
      tpu.wait_indirect_dma semaphore(%arg12 : memref<!tpu.dma_semaphore, #tpu.memory_space<semaphore_mem>>) src(%dma_wait3A_551 : memref<256x128xf32, #tpu.memory_space<vmem_shared>>) dst(%dma_wait3A_547 : memref<128x128xf32, #tpu.memory_space<vmem>>)
      %add3A_552 = arith.constant 4 : i32
      %add3A_553 = arith.addi %mul3A_414, %add3A_552 : i32
      %mul3A_554 = arith.constant 128 : i32
      %mul3A_555 = arith.muli %add3A_553, %mul3A_554 : i32
      %add3A_556 = arith.addi %mul3A_2, %mul3A_555 : i32
      %dma_start3A_557 = arith.constant 4 : i32
      %dma_start3A_558 = arith.constant 0 : i32
      %dma_start3A_559 = arith.constant 0 : i32
      %dma_start3A_560 = tpu.memref_slice %arg6[%dma_start3A_557, %dma_start3A_558, %dma_start3A_559] : memref<6x128x128xf32, #tpu.memory_space<vmem>> -> memref<1x128x128xf32, #tpu.memory_space<vmem>>
      %dma_start3A_561 = tpu.memref_squeeze %dma_start3A_560 : memref<1x128x128xf32, #tpu.memory_space<vmem>> -> memref<128x128xf32, #tpu.memory_space<vmem>>
      %dma_start3A_562 = arith.constant 0 : i32
      %dma_start3A_563 = tpu.memref_slice %arg4[%add3A_556, %dma_start3A_562] : memref<204800x128xf32, #tpu.memory_space<hbm>> -> memref<128x128xf32, #tpu.memory_space<hbm>>
      %dma_start3A_564 = arith.constant 0 : i32
      %dma_start3A_565 = tpu.memref_slice %arg4[%add3A_556, %dma_start3A_564] : memref<204800x128xf32, #tpu.memory_space<hbm>> -> memref<128x128xf32, #tpu.memory_space<hbm>>
      %dma_start3A_566 = arith.constant 0 : i32
      %dma_start3A_567 = arith.constant 0 : i32
      %dma_start3A_568 = tpu.memref_slice %arg6[%dma_start3A_557, %dma_start3A_566, %dma_start3A_567] : memref<6x128x128xf32, #tpu.memory_space<vmem>> -> memref<1x128x128xf32, #tpu.memory_space<vmem>>
      %dma_start3A_569 = tpu.memref_squeeze %dma_start3A_568 : memref<1x128x128xf32, #tpu.memory_space<vmem>> -> memref<128x128xf32, #tpu.memory_space<vmem>>
      tpu.enqueue_dma source(%dma_start3A_569 : memref<128x128xf32, #tpu.memory_space<vmem>>) target(%dma_start3A_565 : memref<128x128xf32, #tpu.memory_space<hbm>>) target_semaphore(%arg18 : memref<!tpu.dma_semaphore, #tpu.memory_space<semaphore_mem>>)
      %add3A_570 = arith.constant 5 : i32
      %add3A_571 = arith.addi %mul3A_414, %add3A_570 : i32
      %mul3A_572 = arith.constant 128 : i32
      %mul3A_573 = arith.muli %add3A_571, %mul3A_572 : i32
      %dma_wait3A_574 = arith.constant 5 : i32
      %dma_wait3A_575 = arith.constant 0 : i32
      %dma_wait3A_576 = arith.constant 0 : i32
      %dma_wait3A_577 = tpu.memref_slice %arg6[%dma_wait3A_574, %dma_wait3A_575, %dma_wait3A_576] : memref<6x128x128xf32, #tpu.memory_space<vmem>> -> memref<1x128x128xf32, #tpu.memory_space<vmem>>
      %dma_wait3A_578 = tpu.memref_squeeze %dma_wait3A_577 : memref<1x128x128xf32, #tpu.memory_space<vmem>> -> memref<128x128xf32, #tpu.memory_space<vmem>>
      %dma_wait3A_579 = tpu.memref_slice %arg5[%mul3A_573] : memref<6400xi32, #tpu.memory_space<vmem>> -> memref<128xi32, #tpu.memory_space<vmem>>
      %dma_wait3A_580 = arith.constant 0 : i32
      %dma_wait3A_581 = arith.constant 0 : i32
      %dma_wait3A_582 = tpu.memref_slice %arg7[%dma_wait3A_580, %dma_wait3A_581] : memref<256x128xf32, #tpu.memory_space<vmem_shared>> -> memref<256x128xf32, #tpu.memory_space<vmem_shared>>
      tpu.wait_indirect_dma semaphore(%arg13 : memref<!tpu.dma_semaphore, #tpu.memory_space<semaphore_mem>>) src(%dma_wait3A_582 : memref<256x128xf32, #tpu.memory_space<vmem_shared>>) dst(%dma_wait3A_578 : memref<128x128xf32, #tpu.memory_space<vmem>>)
      %add3A_583 = arith.constant 5 : i32
      %add3A_584 = arith.addi %mul3A_414, %add3A_583 : i32
      %mul3A_585 = arith.constant 128 : i32
      %mul3A_586 = arith.muli %add3A_584, %mul3A_585 : i32
      %add3A_587 = arith.addi %mul3A_2, %mul3A_586 : i32
      %dma_start3A_588 = arith.constant 5 : i32
      %dma_start3A_589 = arith.constant 0 : i32
      %dma_start3A_590 = arith.constant 0 : i32
      %dma_start3A_591 = tpu.memref_slice %arg6[%dma_start3A_588, %dma_start3A_589, %dma_start3A_590] : memref<6x128x128xf32, #tpu.memory_space<vmem>> -> memref<1x128x128xf32, #tpu.memory_space<vmem>>
      %dma_start3A_592 = tpu.memref_squeeze %dma_start3A_591 : memref<1x128x128xf32, #tpu.memory_space<vmem>> -> memref<128x128xf32, #tpu.memory_space<vmem>>
      %dma_start3A_593 = arith.constant 0 : i32
      %dma_start3A_594 = tpu.memref_slice %arg4[%add3A_587, %dma_start3A_593] : memref<204800x128xf32, #tpu.memory_space<hbm>> -> memref<128x128xf32, #tpu.memory_space<hbm>>
      %dma_start3A_595 = arith.constant 0 : i32
      %dma_start3A_596 = tpu.memref_slice %arg4[%add3A_587, %dma_start3A_595] : memref<204800x128xf32, #tpu.memory_space<hbm>> -> memref<128x128xf32, #tpu.memory_space<hbm>>
      %dma_start3A_597 = arith.constant 0 : i32
      %dma_start3A_598 = arith.constant 0 : i32
      %dma_start3A_599 = tpu.memref_slice %arg6[%dma_start3A_588, %dma_start3A_597, %dma_start3A_598] : memref<6x128x128xf32, #tpu.memory_space<vmem>> -> memref<1x128x128xf32, #tpu.memory_space<vmem>>
      %dma_start3A_600 = tpu.memref_squeeze %dma_start3A_599 : memref<1x128x128xf32, #tpu.memory_space<vmem>> -> memref<128x128xf32, #tpu.memory_space<vmem>>
      tpu.enqueue_dma source(%dma_start3A_600 : memref<128x128xf32, #tpu.memory_space<vmem>>) target(%dma_start3A_596 : memref<128x128xf32, #tpu.memory_space<hbm>>) target_semaphore(%arg19 : memref<!tpu.dma_semaphore, #tpu.memory_space<semaphore_mem>>)
      %add3A_601 = arith.constant 0 : i32
      %add3A_602 = arith.addi %mul3A_414, %add3A_601 : i32
      %mul3A_603 = arith.constant 128 : i32
      %mul3A_604 = arith.muli %add3A_602, %mul3A_603 : i32
      %add3A_605 = arith.addi %mul3A_2, %mul3A_604 : i32
      %dma_wait3A_606 = arith.constant 0 : i32
      %dma_wait3A_607 = arith.constant 0 : i32
      %dma_wait3A_608 = arith.constant 0 : i32
      %dma_wait3A_609 = tpu.memref_slice %arg6[%dma_wait3A_606, %dma_wait3A_607, %dma_wait3A_608] : memref<6x128x128xf32, #tpu.memory_space<vmem>> -> memref<1x128x128xf32, #tpu.memory_space<vmem>>
      %dma_wait3A_610 = tpu.memref_squeeze %dma_wait3A_609 : memref<1x128x128xf32, #tpu.memory_space<vmem>> -> memref<128x128xf32, #tpu.memory_space<vmem>>
      %dma_wait3A_611 = arith.constant 0 : i32
      %dma_wait3A_612 = tpu.memref_slice %arg4[%add3A_605, %dma_wait3A_611] : memref<204800x128xf32, #tpu.memory_space<hbm>> -> memref<128x128xf32, #tpu.memory_space<hbm>>
      %dma_wait3A_613 = arith.constant 0 : i32
      %dma_wait3A_614 = tpu.memref_slice %arg4[%add3A_605, %dma_wait3A_613] : memref<204800x128xf32, #tpu.memory_space<hbm>> -> memref<128x128xf32, #tpu.memory_space<hbm>>
      %dma_wait3A_615 = arith.constant 0 : i32
      %dma_wait3A_616 = arith.constant 0 : i32
      %dma_wait3A_617 = tpu.memref_slice %arg6[%dma_wait3A_606, %dma_wait3A_615, %dma_wait3A_616] : memref<6x128x128xf32, #tpu.memory_space<vmem>> -> memref<1x128x128xf32, #tpu.memory_space<vmem>>
      %dma_wait3A_618 = tpu.memref_squeeze %dma_wait3A_617 : memref<1x128x128xf32, #tpu.memory_space<vmem>> -> memref<128x128xf32, #tpu.memory_space<vmem>>
      tpu.wait_dma2 semaphore(%arg14 : memref<!tpu.dma_semaphore, #tpu.memory_space<semaphore_mem>>) src(%dma_wait3A_618 : memref<128x128xf32, #tpu.memory_space<vmem>>) dst(%dma_wait3A_614 : memref<128x128xf32, #tpu.memory_space<hbm>>)
      %add3A_619 = arith.constant 6 : i32
      %add3A_620 = arith.addi %mul3A_414, %add3A_619 : i32
      %add3A_621 = arith.constant 0 : i32
      %add3A_622 = arith.addi %add3A_620, %add3A_621 : i32
      %mul3A_623 = arith.constant 128 : i32
      %mul3A_624 = arith.muli %add3A_622, %mul3A_623 : i32
      %dma_start3A_625 = arith.constant 0 : i32
      %dma_start3A_626 = arith.constant 0 : i32
      %dma_start3A_627 = arith.constant 0 : i32
      %dma_start3A_628 = tpu.memref_slice %arg6[%dma_start3A_625, %dma_start3A_626, %dma_start3A_627] : memref<6x128x128xf32, #tpu.memory_space<vmem>> -> memref<1x128x128xf32, #tpu.memory_space<vmem>>
      %dma_start3A_629 = tpu.memref_squeeze %dma_start3A_628 : memref<1x128x128xf32, #tpu.memory_space<vmem>> -> memref<128x128xf32, #tpu.memory_space<vmem>>
      %dma_start3A_630 = tpu.memref_slice %arg5[%mul3A_624] : memref<6400xi32, #tpu.memory_space<vmem>> -> memref<128xi32, #tpu.memory_space<vmem>>
      %dma_start3A_631 = arith.constant 0 : i32
      %dma_start3A_632 = arith.constant 0 : i32
      %dma_start3A_633 = tpu.memref_slice %arg7[%dma_start3A_631, %dma_start3A_632] : memref<256x128xf32, #tpu.memory_space<vmem_shared>> -> memref<256x128xf32, #tpu.memory_space<vmem_shared>>
      tpu.enqueue_indirect_dma source(%dma_start3A_633 : memref<256x128xf32, #tpu.memory_space<vmem_shared>>) target(%dma_start3A_629 : memref<128x128xf32, #tpu.memory_space<vmem>>) offsets(%dma_start3A_630 : memref<128xi32, #tpu.memory_space<vmem>>) semaphore(%arg8 : memref<!tpu.dma_semaphore, #tpu.memory_space<semaphore_mem>>)
      %add3A_634 = arith.constant 1 : i32
      %add3A_635 = arith.addi %mul3A_414, %add3A_634 : i32
      %mul3A_636 = arith.constant 128 : i32
      %mul3A_637 = arith.muli %add3A_635, %mul3A_636 : i32
      %add3A_638 = arith.addi %mul3A_2, %mul3A_637 : i32
      %dma_wait3A_639 = arith.constant 1 : i32
      %dma_wait3A_640 = arith.constant 0 : i32
      %dma_wait3A_641 = arith.constant 0 : i32
      %dma_wait3A_642 = tpu.memref_slice %arg6[%dma_wait3A_639, %dma_wait3A_640, %dma_wait3A_641] : memref<6x128x128xf32, #tpu.memory_space<vmem>> -> memref<1x128x128xf32, #tpu.memory_space<vmem>>
      %dma_wait3A_643 = tpu.memref_squeeze %dma_wait3A_642 : memref<1x128x128xf32, #tpu.memory_space<vmem>> -> memref<128x128xf32, #tpu.memory_space<vmem>>
      %dma_wait3A_644 = arith.constant 0 : i32
      %dma_wait3A_645 = tpu.memref_slice %arg4[%add3A_638, %dma_wait3A_644] : memref<204800x128xf32, #tpu.memory_space<hbm>> -> memref<128x128xf32, #tpu.memory_space<hbm>>
      %dma_wait3A_646 = arith.constant 0 : i32
      %dma_wait3A_647 = tpu.memref_slice %arg4[%add3A_638, %dma_wait3A_646] : memref<204800x128xf32, #tpu.memory_space<hbm>> -> memref<128x128xf32, #tpu.memory_space<hbm>>
      %dma_wait3A_648 = arith.constant 0 : i32
      %dma_wait3A_649 = arith.constant 0 : i32
      %dma_wait3A_650 = tpu.memref_slice %arg6[%dma_wait3A_639, %dma_wait3A_648, %dma_wait3A_649] : memref<6x128x128xf32, #tpu.memory_space<vmem>> -> memref<1x128x128xf32, #tpu.memory_space<vmem>>
      %dma_wait3A_651 = tpu.memref_squeeze %dma_wait3A_650 : memref<1x128x128xf32, #tpu.memory_space<vmem>> -> memref<128x128xf32, #tpu.memory_space<vmem>>
      tpu.wait_dma2 semaphore(%arg15 : memref<!tpu.dma_semaphore, #tpu.memory_space<semaphore_mem>>) src(%dma_wait3A_651 : memref<128x128xf32, #tpu.memory_space<vmem>>) dst(%dma_wait3A_647 : memref<128x128xf32, #tpu.memory_space<hbm>>)
      %add3A_652 = arith.constant 6 : i32
      %add3A_653 = arith.addi %mul3A_414, %add3A_652 : i32
      %add3A_654 = arith.constant 1 : i32
      %add3A_655 = arith.addi %add3A_653, %add3A_654 : i32
      %mul3A_656 = arith.constant 128 : i32
      %mul3A_657 = arith.muli %add3A_655, %mul3A_656 : i32
      %dma_start3A_658 = arith.constant 1 : i32
      %dma_start3A_659 = arith.constant 0 : i32
      %dma_start3A_660 = arith.constant 0 : i32
      %dma_start3A_661 = tpu.memref_slice %arg6[%dma_start3A_658, %dma_start3A_659, %dma_start3A_660] : memref<6x128x128xf32, #tpu.memory_space<vmem>> -> memref<1x128x128xf32, #tpu.memory_space<vmem>>
      %dma_start3A_662 = tpu.memref_squeeze %dma_start3A_661 : memref<1x128x128xf32, #tpu.memory_space<vmem>> -> memref<128x128xf32, #tpu.memory_space<vmem>>
      %dma_start3A_663 = tpu.memref_slice %arg5[%mul3A_657] : memref<6400xi32, #tpu.memory_space<vmem>> -> memref<128xi32, #tpu.memory_space<vmem>>
      %dma_start3A_664 = arith.constant 0 : i32
      %dma_start3A_665 = arith.constant 0 : i32
      %dma_start3A_666 = tpu.memref_slice %arg7[%dma_start3A_664, %dma_start3A_665] : memref<256x128xf32, #tpu.memory_space<vmem_shared>> -> memref<256x128xf32, #tpu.memory_space<vmem_shared>>
      tpu.enqueue_indirect_dma source(%dma_start3A_666 : memref<256x128xf32, #tpu.memory_space<vmem_shared>>) target(%dma_start3A_662 : memref<128x128xf32, #tpu.memory_space<vmem>>) offsets(%dma_start3A_663 : memref<128xi32, #tpu.memory_space<vmem>>) semaphore(%arg9 : memref<!tpu.dma_semaphore, #tpu.memory_space<semaphore_mem>>)
      %add3A_667 = arith.constant 2 : i32
      %add3A_668 = arith.addi %mul3A_414, %add3A_667 : i32
      %mul3A_669 = arith.constant 128 : i32
      %mul3A_670 = arith.muli %add3A_668, %mul3A_669 : i32
      %add3A_671 = arith.addi %mul3A_2, %mul3A_670 : i32
      %dma_wait3A_672 = arith.constant 2 : i32
      %dma_wait3A_673 = arith.constant 0 : i32
      %dma_wait3A_674 = arith.constant 0 : i32
      %dma_wait3A_675 = tpu.memref_slice %arg6[%dma_wait3A_672, %dma_wait3A_673, %dma_wait3A_674] : memref<6x128x128xf32, #tpu.memory_space<vmem>> -> memref<1x128x128xf32, #tpu.memory_space<vmem>>
      %dma_wait3A_676 = tpu.memref_squeeze %dma_wait3A_675 : memref<1x128x128xf32, #tpu.memory_space<vmem>> -> memref<128x128xf32, #tpu.memory_space<vmem>>
      %dma_wait3A_677 = arith.constant 0 : i32
      %dma_wait3A_678 = tpu.memref_slice %arg4[%add3A_671, %dma_wait3A_677] : memref<204800x128xf32, #tpu.memory_space<hbm>> -> memref<128x128xf32, #tpu.memory_space<hbm>>
      %dma_wait3A_679 = arith.constant 0 : i32
      %dma_wait3A_680 = tpu.memref_slice %arg4[%add3A_671, %dma_wait3A_679] : memref<204800x128xf32, #tpu.memory_space<hbm>> -> memref<128x128xf32, #tpu.memory_space<hbm>>
      %dma_wait3A_681 = arith.constant 0 : i32
      %dma_wait3A_682 = arith.constant 0 : i32
      %dma_wait3A_683 = tpu.memref_slice %arg6[%dma_wait3A_672, %dma_wait3A_681, %dma_wait3A_682] : memref<6x128x128xf32, #tpu.memory_space<vmem>> -> memref<1x128x128xf32, #tpu.memory_space<vmem>>
      %dma_wait3A_684 = tpu.memref_squeeze %dma_wait3A_683 : memref<1x128x128xf32, #tpu.memory_space<vmem>> -> memref<128x128xf32, #tpu.memory_space<vmem>>
      tpu.wait_dma2 semaphore(%arg16 : memref<!tpu.dma_semaphore, #tpu.memory_space<semaphore_mem>>) src(%dma_wait3A_684 : memref<128x128xf32, #tpu.memory_space<vmem>>) dst(%dma_wait3A_680 : memref<128x128xf32, #tpu.memory_space<hbm>>)
      %add3A_685 = arith.constant 6 : i32
      %add3A_686 = arith.addi %mul3A_414, %add3A_685 : i32
      %add3A_687 = arith.constant 2 : i32
      %add3A_688 = arith.addi %add3A_686, %add3A_687 : i32
      %mul3A_689 = arith.constant 128 : i32
      %mul3A_690 = arith.muli %add3A_688, %mul3A_689 : i32
      %dma_start3A_691 = arith.constant 2 : i32
      %dma_start3A_692 = arith.constant 0 : i32
      %dma_start3A_693 = arith.constant 0 : i32
      %dma_start3A_694 = tpu.memref_slice %arg6[%dma_start3A_691, %dma_start3A_692, %dma_start3A_693] : memref<6x128x128xf32, #tpu.memory_space<vmem>> -> memref<1x128x128xf32, #tpu.memory_space<vmem>>
      %dma_start3A_695 = tpu.memref_squeeze %dma_start3A_694 : memref<1x128x128xf32, #tpu.memory_space<vmem>> -> memref<128x128xf32, #tpu.memory_space<vmem>>
      %dma_start3A_696 = tpu.memref_slice %arg5[%mul3A_690] : memref<6400xi32, #tpu.memory_space<vmem>> -> memref<128xi32, #tpu.memory_space<vmem>>
      %dma_start3A_697 = arith.constant 0 : i32
      %dma_start3A_698 = arith.constant 0 : i32
      %dma_start3A_699 = tpu.memref_slice %arg7[%dma_start3A_697, %dma_start3A_698] : memref<256x128xf32, #tpu.memory_space<vmem_shared>> -> memref<256x128xf32, #tpu.memory_space<vmem_shared>>
      tpu.enqueue_indirect_dma source(%dma_start3A_699 : memref<256x128xf32, #tpu.memory_space<vmem_shared>>) target(%dma_start3A_695 : memref<128x128xf32, #tpu.memory_space<vmem>>) offsets(%dma_start3A_696 : memref<128xi32, #tpu.memory_space<vmem>>) semaphore(%arg10 : memref<!tpu.dma_semaphore, #tpu.memory_space<semaphore_mem>>)
      %add3A_700 = arith.constant 3 : i32
      %add3A_701 = arith.addi %mul3A_414, %add3A_700 : i32
      %mul3A_702 = arith.constant 128 : i32
      %mul3A_703 = arith.muli %add3A_701, %mul3A_702 : i32
      %add3A_704 = arith.addi %mul3A_2, %mul3A_703 : i32
      %dma_wait3A_705 = arith.constant 3 : i32
      %dma_wait3A_706 = arith.constant 0 : i32
      %dma_wait3A_707 = arith.constant 0 : i32
      %dma_wait3A_708 = tpu.memref_slice %arg6[%dma_wait3A_705, %dma_wait3A_706, %dma_wait3A_707] : memref<6x128x128xf32, #tpu.memory_space<vmem>> -> memref<1x128x128xf32, #tpu.memory_space<vmem>>
      %dma_wait3A_709 = tpu.memref_squeeze %dma_wait3A_708 : memref<1x128x128xf32, #tpu.memory_space<vmem>> -> memref<128x128xf32, #tpu.memory_space<vmem>>
      %dma_wait3A_710 = arith.constant 0 : i32
      %dma_wait3A_711 = tpu.memref_slice %arg4[%add3A_704, %dma_wait3A_710] : memref<204800x128xf32, #tpu.memory_space<hbm>> -> memref<128x128xf32, #tpu.memory_space<hbm>>
      %dma_wait3A_712 = arith.constant 0 : i32
      %dma_wait3A_713 = tpu.memref_slice %arg4[%add3A_704, %dma_wait3A_712] : memref<204800x128xf32, #tpu.memory_space<hbm>> -> memref<128x128xf32, #tpu.memory_space<hbm>>
      %dma_wait3A_714 = arith.constant 0 : i32
      %dma_wait3A_715 = arith.constant 0 : i32
      %dma_wait3A_716 = tpu.memref_slice %arg6[%dma_wait3A_705, %dma_wait3A_714, %dma_wait3A_715] : memref<6x128x128xf32, #tpu.memory_space<vmem>> -> memref<1x128x128xf32, #tpu.memory_space<vmem>>
      %dma_wait3A_717 = tpu.memref_squeeze %dma_wait3A_716 : memref<1x128x128xf32, #tpu.memory_space<vmem>> -> memref<128x128xf32, #tpu.memory_space<vmem>>
      tpu.wait_dma2 semaphore(%arg17 : memref<!tpu.dma_semaphore, #tpu.memory_space<semaphore_mem>>) src(%dma_wait3A_717 : memref<128x128xf32, #tpu.memory_space<vmem>>) dst(%dma_wait3A_713 : memref<128x128xf32, #tpu.memory_space<hbm>>)
      %add3A_718 = arith.constant 6 : i32
      %add3A_719 = arith.addi %mul3A_414, %add3A_718 : i32
      %add3A_720 = arith.constant 3 : i32
      %add3A_721 = arith.addi %add3A_719, %add3A_720 : i32
      %mul3A_722 = arith.constant 128 : i32
      %mul3A_723 = arith.muli %add3A_721, %mul3A_722 : i32
      %dma_start3A_724 = arith.constant 3 : i32
      %dma_start3A_725 = arith.constant 0 : i32
      %dma_start3A_726 = arith.constant 0 : i32
      %dma_start3A_727 = tpu.memref_slice %arg6[%dma_start3A_724, %dma_start3A_725, %dma_start3A_726] : memref<6x128x128xf32, #tpu.memory_space<vmem>> -> memref<1x128x128xf32, #tpu.memory_space<vmem>>
      %dma_start3A_728 = tpu.memref_squeeze %dma_start3A_727 : memref<1x128x128xf32, #tpu.memory_space<vmem>> -> memref<128x128xf32, #tpu.memory_space<vmem>>
      %dma_start3A_729 = tpu.memref_slice %arg5[%mul3A_723] : memref<6400xi32, #tpu.memory_space<vmem>> -> memref<128xi32, #tpu.memory_space<vmem>>
      %dma_start3A_730 = arith.constant 0 : i32
      %dma_start3A_731 = arith.constant 0 : i32
      %dma_start3A_732 = tpu.memref_slice %arg7[%dma_start3A_730, %dma_start3A_731] : memref<256x128xf32, #tpu.memory_space<vmem_shared>> -> memref<256x128xf32, #tpu.memory_space<vmem_shared>>
      tpu.enqueue_indirect_dma source(%dma_start3A_732 : memref<256x128xf32, #tpu.memory_space<vmem_shared>>) target(%dma_start3A_728 : memref<128x128xf32, #tpu.memory_space<vmem>>) offsets(%dma_start3A_729 : memref<128xi32, #tpu.memory_space<vmem>>) semaphore(%arg11 : memref<!tpu.dma_semaphore, #tpu.memory_space<semaphore_mem>>)
      %add3A_733 = arith.constant 4 : i32
      %add3A_734 = arith.addi %mul3A_414, %add3A_733 : i32
      %mul3A_735 = arith.constant 128 : i32
      %mul3A_736 = arith.muli %add3A_734, %mul3A_735 : i32
      %add3A_737 = arith.addi %mul3A_2, %mul3A_736 : i32
      %dma_wait3A_738 = arith.constant 4 : i32
      %dma_wait3A_739 = arith.constant 0 : i32
      %dma_wait3A_740 = arith.constant 0 : i32
      %dma_wait3A_741 = tpu.memref_slice %arg6[%dma_wait3A_738, %dma_wait3A_739, %dma_wait3A_740] : memref<6x128x128xf32, #tpu.memory_space<vmem>> -> memref<1x128x128xf32, #tpu.memory_space<vmem>>
      %dma_wait3A_742 = tpu.memref_squeeze %dma_wait3A_741 : memref<1x128x128xf32, #tpu.memory_space<vmem>> -> memref<128x128xf32, #tpu.memory_space<vmem>>
      %dma_wait3A_743 = arith.constant 0 : i32
      %dma_wait3A_744 = tpu.memref_slice %arg4[%add3A_737, %dma_wait3A_743] : memref<204800x128xf32, #tpu.memory_space<hbm>> -> memref<128x128xf32, #tpu.memory_space<hbm>>
      %dma_wait3A_745 = arith.constant 0 : i32
      %dma_wait3A_746 = tpu.memref_slice %arg4[%add3A_737, %dma_wait3A_745] : memref<204800x128xf32, #tpu.memory_space<hbm>> -> memref<128x128xf32, #tpu.memory_space<hbm>>
      %dma_wait3A_747 = arith.constant 0 : i32
      %dma_wait3A_748 = arith.constant 0 : i32
      %dma_wait3A_749 = tpu.memref_slice %arg6[%dma_wait3A_738, %dma_wait3A_747, %dma_wait3A_748] : memref<6x128x128xf32, #tpu.memory_space<vmem>> -> memref<1x128x128xf32, #tpu.memory_space<vmem>>
      %dma_wait3A_750 = tpu.memref_squeeze %dma_wait3A_749 : memref<1x128x128xf32, #tpu.memory_space<vmem>> -> memref<128x128xf32, #tpu.memory_space<vmem>>
      tpu.wait_dma2 semaphore(%arg18 : memref<!tpu.dma_semaphore, #tpu.memory_space<semaphore_mem>>) src(%dma_wait3A_750 : memref<128x128xf32, #tpu.memory_space<vmem>>) dst(%dma_wait3A_746 : memref<128x128xf32, #tpu.memory_space<hbm>>)
      %add3A_751 = arith.constant 6 : i32
      %add3A_752 = arith.addi %mul3A_414, %add3A_751 : i32
      %add3A_753 = arith.constant 4 : i32
      %add3A_754 = arith.addi %add3A_752, %add3A_753 : i32
      %mul3A_755 = arith.constant 128 : i32
      %mul3A_756 = arith.muli %add3A_754, %mul3A_755 : i32
      %dma_start3A_757 = arith.constant 4 : i32
      %dma_start3A_758 = arith.constant 0 : i32
      %dma_start3A_759 = arith.constant 0 : i32
      %dma_start3A_760 = tpu.memref_slice %arg6[%dma_start3A_757, %dma_start3A_758, %dma_start3A_759] : memref<6x128x128xf32, #tpu.memory_space<vmem>> -> memref<1x128x128xf32, #tpu.memory_space<vmem>>
      %dma_start3A_761 = tpu.memref_squeeze %dma_start3A_760 : memref<1x128x128xf32, #tpu.memory_space<vmem>> -> memref<128x128xf32, #tpu.memory_space<vmem>>
      %dma_start3A_762 = tpu.memref_slice %arg5[%mul3A_756] : memref<6400xi32, #tpu.memory_space<vmem>> -> memref<128xi32, #tpu.memory_space<vmem>>
      %dma_start3A_763 = arith.constant 0 : i32
      %dma_start3A_764 = arith.constant 0 : i32
      %dma_start3A_765 = tpu.memref_slice %arg7[%dma_start3A_763, %dma_start3A_764] : memref<256x128xf32, #tpu.memory_space<vmem_shared>> -> memref<256x128xf32, #tpu.memory_space<vmem_shared>>
      tpu.enqueue_indirect_dma source(%dma_start3A_765 : memref<256x128xf32, #tpu.memory_space<vmem_shared>>) target(%dma_start3A_761 : memref<128x128xf32, #tpu.memory_space<vmem>>) offsets(%dma_start3A_762 : memref<128xi32, #tpu.memory_space<vmem>>) semaphore(%arg12 : memref<!tpu.dma_semaphore, #tpu.memory_space<semaphore_mem>>)
      %add3A_766 = arith.constant 5 : i32
      %add3A_767 = arith.addi %mul3A_414, %add3A_766 : i32
      %mul3A_768 = arith.constant 128 : i32
      %mul3A_769 = arith.muli %add3A_767, %mul3A_768 : i32
      %add3A_770 = arith.addi %mul3A_2, %mul3A_769 : i32
      %dma_wait3A_771 = arith.constant 5 : i32
      %dma_wait3A_772 = arith.constant 0 : i32
      %dma_wait3A_773 = arith.constant 0 : i32
      %dma_wait3A_774 = tpu.memref_slice %arg6[%dma_wait3A_771, %dma_wait3A_772, %dma_wait3A_773] : memref<6x128x128xf32, #tpu.memory_space<vmem>> -> memref<1x128x128xf32, #tpu.memory_space<vmem>>
      %dma_wait3A_775 = tpu.memref_squeeze %dma_wait3A_774 : memref<1x128x128xf32, #tpu.memory_space<vmem>> -> memref<128x128xf32, #tpu.memory_space<vmem>>
      %dma_wait3A_776 = arith.constant 0 : i32
      %dma_wait3A_777 = tpu.memref_slice %arg4[%add3A_770, %dma_wait3A_776] : memref<204800x128xf32, #tpu.memory_space<hbm>> -> memref<128x128xf32, #tpu.memory_space<hbm>>
      %dma_wait3A_778 = arith.constant 0 : i32
      %dma_wait3A_779 = tpu.memref_slice %arg4[%add3A_770, %dma_wait3A_778] : memref<204800x128xf32, #tpu.memory_space<hbm>> -> memref<128x128xf32, #tpu.memory_space<hbm>>
      %dma_wait3A_780 = arith.constant 0 : i32
      %dma_wait3A_781 = arith.constant 0 : i32
      %dma_wait3A_782 = tpu.memref_slice %arg6[%dma_wait3A_771, %dma_wait3A_780, %dma_wait3A_781] : memref<6x128x128xf32, #tpu.memory_space<vmem>> -> memref<1x128x128xf32, #tpu.memory_space<vmem>>
      %dma_wait3A_783 = tpu.memref_squeeze %dma_wait3A_782 : memref<1x128x128xf32, #tpu.memory_space<vmem>> -> memref<128x128xf32, #tpu.memory_space<vmem>>
      tpu.wait_dma2 semaphore(%arg19 : memref<!tpu.dma_semaphore, #tpu.memory_space<semaphore_mem>>) src(%dma_wait3A_783 : memref<128x128xf32, #tpu.memory_space<vmem>>) dst(%dma_wait3A_779 : memref<128x128xf32, #tpu.memory_space<hbm>>)
      %add3A_784 = arith.constant 6 : i32
      %add3A_785 = arith.addi %mul3A_414, %add3A_784 : i32
      %add3A_786 = arith.constant 5 : i32
      %add3A_787 = arith.addi %add3A_785, %add3A_786 : i32
      %mul3A_788 = arith.constant 128 : i32
      %mul3A_789 = arith.muli %add3A_787, %mul3A_788 : i32
      %dma_start3A_790 = arith.constant 5 : i32
      %dma_start3A_791 = arith.constant 0 : i32
      %dma_start3A_792 = arith.constant 0 : i32
      %dma_start3A_793 = tpu.memref_slice %arg6[%dma_start3A_790, %dma_start3A_791, %dma_start3A_792] : memref<6x128x128xf32, #tpu.memory_space<vmem>> -> memref<1x128x128xf32, #tpu.memory_space<vmem>>
      %dma_start3A_794 = tpu.memref_squeeze %dma_start3A_793 : memref<1x128x128xf32, #tpu.memory_space<vmem>> -> memref<128x128xf32, #tpu.memory_space<vmem>>
      %dma_start3A_795 = tpu.memref_slice %arg5[%mul3A_789] : memref<6400xi32, #tpu.memory_space<vmem>> -> memref<128xi32, #tpu.memory_space<vmem>>
      %dma_start3A_796 = arith.constant 0 : i32
      %dma_start3A_797 = arith.constant 0 : i32
      %dma_start3A_798 = tpu.memref_slice %arg7[%dma_start3A_796, %dma_start3A_797] : memref<256x128xf32, #tpu.memory_space<vmem_shared>> -> memref<256x128xf32, #tpu.memory_space<vmem_shared>>
      tpu.enqueue_indirect_dma source(%dma_start3A_798 : memref<256x128xf32, #tpu.memory_space<vmem_shared>>) target(%dma_start3A_794 : memref<128x128xf32, #tpu.memory_space<vmem>>) offsets(%dma_start3A_795 : memref<128xi32, #tpu.memory_space<vmem>>) semaphore(%arg13 : memref<!tpu.dma_semaphore, #tpu.memory_space<semaphore_mem>>)
    }
    %scan3A_71 = arith.constant 7 : i32
    %dma_wait3A_72 = arith.constant 0 : i32
    %dma_wait3A_73 = arith.constant 0 : i32
    %dma_wait3A_74 = arith.constant 0 : i32
    %dma_wait3A_75 = tpu.memref_slice %arg6[%dma_wait3A_72, %dma_wait3A_73, %dma_wait3A_74] : memref<6x128x128xf32, #tpu.memory_space<vmem>> -> memref<1x128x128xf32, #tpu.memory_space<vmem>>
    %dma_wait3A_76 = tpu.memref_squeeze %dma_wait3A_75 : memref<1x128x128xf32, #tpu.memory_space<vmem>> -> memref<128x128xf32, #tpu.memory_space<vmem>>
    %dma_wait3A_77 = arith.constant 5376 : i32
    %dma_wait3A_78 = tpu.memref_slice %arg5[%dma_wait3A_77] : memref<6400xi32, #tpu.memory_space<vmem>> -> memref<128xi32, #tpu.memory_space<vmem>>
    %dma_wait3A_79 = arith.constant 0 : i32
    %dma_wait3A_80 = arith.constant 0 : i32
    %dma_wait3A_81 = tpu.memref_slice %arg7[%dma_wait3A_79, %dma_wait3A_80] : memref<256x128xf32, #tpu.memory_space<vmem_shared>> -> memref<256x128xf32, #tpu.memory_space<vmem_shared>>
    tpu.wait_indirect_dma semaphore(%arg8 : memref<!tpu.dma_semaphore, #tpu.memory_space<semaphore_mem>>) src(%dma_wait3A_81 : memref<256x128xf32, #tpu.memory_space<vmem_shared>>) dst(%dma_wait3A_76 : memref<128x128xf32, #tpu.memory_space<vmem>>)
    %add3A_82 = arith.constant 5376 : i32
    %add3A_83 = arith.addi %mul3A_2, %add3A_82 : i32
    %dma_start3A_84 = arith.constant 0 : i32
    %dma_start3A_85 = arith.constant 0 : i32
    %dma_start3A_86 = arith.constant 0 : i32
    %dma_start3A_87 = tpu.memref_slice %arg6[%dma_start3A_84, %dma_start3A_85, %dma_start3A_86] : memref<6x128x128xf32, #tpu.memory_space<vmem>> -> memref<1x128x128xf32, #tpu.memory_space<vmem>>
    %dma_start3A_88 = tpu.memref_squeeze %dma_start3A_87 : memref<1x128x128xf32, #tpu.memory_space<vmem>> -> memref<128x128xf32, #tpu.memory_space<vmem>>
    %dma_start3A_89 = arith.constant 0 : i32
    %dma_start3A_90 = tpu.memref_slice %arg4[%add3A_83, %dma_start3A_89] : memref<204800x128xf32, #tpu.memory_space<hbm>> -> memref<128x128xf32, #tpu.memory_space<hbm>>
    %dma_start3A_91 = arith.constant 0 : i32
    %dma_start3A_92 = tpu.memref_slice %arg4[%add3A_83, %dma_start3A_91] : memref<204800x128xf32, #tpu.memory_space<hbm>> -> memref<128x128xf32, #tpu.memory_space<hbm>>
    %dma_start3A_93 = arith.constant 0 : i32
    %dma_start3A_94 = arith.constant 0 : i32
    %dma_start3A_95 = tpu.memref_slice %arg6[%dma_start3A_84, %dma_start3A_93, %dma_start3A_94] : memref<6x128x128xf32, #tpu.memory_space<vmem>> -> memref<1x128x128xf32, #tpu.memory_space<vmem>>
    %dma_start3A_96 = tpu.memref_squeeze %dma_start3A_95 : memref<1x128x128xf32, #tpu.memory_space<vmem>> -> memref<128x128xf32, #tpu.memory_space<vmem>>
    tpu.enqueue_dma source(%dma_start3A_96 : memref<128x128xf32, #tpu.memory_space<vmem>>) target(%dma_start3A_92 : memref<128x128xf32, #tpu.memory_space<hbm>>) target_semaphore(%arg14 : memref<!tpu.dma_semaphore, #tpu.memory_space<semaphore_mem>>)
    %dma_wait3A_97 = arith.constant 1 : i32
    %dma_wait3A_98 = arith.constant 0 : i32
    %dma_wait3A_99 = arith.constant 0 : i32
    %dma_wait3A_100 = tpu.memref_slice %arg6[%dma_wait3A_97, %dma_wait3A_98, %dma_wait3A_99] : memref<6x128x128xf32, #tpu.memory_space<vmem>> -> memref<1x128x128xf32, #tpu.memory_space<vmem>>
    %dma_wait3A_101 = tpu.memref_squeeze %dma_wait3A_100 : memref<1x128x128xf32, #tpu.memory_space<vmem>> -> memref<128x128xf32, #tpu.memory_space<vmem>>
    %dma_wait3A_102 = arith.constant 5504 : i32
    %dma_wait3A_103 = tpu.memref_slice %arg5[%dma_wait3A_102] : memref<6400xi32, #tpu.memory_space<vmem>> -> memref<128xi32, #tpu.memory_space<vmem>>
    %dma_wait3A_104 = arith.constant 0 : i32
    %dma_wait3A_105 = arith.constant 0 : i32
    %dma_wait3A_106 = tpu.memref_slice %arg7[%dma_wait3A_104, %dma_wait3A_105] : memref<256x128xf32, #tpu.memory_space<vmem_shared>> -> memref<256x128xf32, #tpu.memory_space<vmem_shared>>
    tpu.wait_indirect_dma semaphore(%arg9 : memref<!tpu.dma_semaphore, #tpu.memory_space<semaphore_mem>>) src(%dma_wait3A_106 : memref<256x128xf32, #tpu.memory_space<vmem_shared>>) dst(%dma_wait3A_101 : memref<128x128xf32, #tpu.memory_space<vmem>>)
    %add3A_107 = arith.constant 5504 : i32
    %add3A_108 = arith.addi %mul3A_2, %add3A_107 : i32
    %dma_start3A_109 = arith.constant 1 : i32
    %dma_start3A_110 = arith.constant 0 : i32
    %dma_start3A_111 = arith.constant 0 : i32
    %dma_start3A_112 = tpu.memref_slice %arg6[%dma_start3A_109, %dma_start3A_110, %dma_start3A_111] : memref<6x128x128xf32, #tpu.memory_space<vmem>> -> memref<1x128x128xf32, #tpu.memory_space<vmem>>
    %dma_start3A_113 = tpu.memref_squeeze %dma_start3A_112 : memref<1x128x128xf32, #tpu.memory_space<vmem>> -> memref<128x128xf32, #tpu.memory_space<vmem>>
    %dma_start3A_114 = arith.constant 0 : i32
    %dma_start3A_115 = tpu.memref_slice %arg4[%add3A_108, %dma_start3A_114] : memref<204800x128xf32, #tpu.memory_space<hbm>> -> memref<128x128xf32, #tpu.memory_space<hbm>>
    %dma_start3A_116 = arith.constant 0 : i32
    %dma_start3A_117 = tpu.memref_slice %arg4[%add3A_108, %dma_start3A_116] : memref<204800x128xf32, #tpu.memory_space<hbm>> -> memref<128x128xf32, #tpu.memory_space<hbm>>
    %dma_start3A_118 = arith.constant 0 : i32
    %dma_start3A_119 = arith.constant 0 : i32
    %dma_start3A_120 = tpu.memref_slice %arg6[%dma_start3A_109, %dma_start3A_118, %dma_start3A_119] : memref<6x128x128xf32, #tpu.memory_space<vmem>> -> memref<1x128x128xf32, #tpu.memory_space<vmem>>
    %dma_start3A_121 = tpu.memref_squeeze %dma_start3A_120 : memref<1x128x128xf32, #tpu.memory_space<vmem>> -> memref<128x128xf32, #tpu.memory_space<vmem>>
    tpu.enqueue_dma source(%dma_start3A_121 : memref<128x128xf32, #tpu.memory_space<vmem>>) target(%dma_start3A_117 : memref<128x128xf32, #tpu.memory_space<hbm>>) target_semaphore(%arg15 : memref<!tpu.dma_semaphore, #tpu.memory_space<semaphore_mem>>)
    %dma_wait3A_122 = arith.constant 2 : i32
    %dma_wait3A_123 = arith.constant 0 : i32
    %dma_wait3A_124 = arith.constant 0 : i32
    %dma_wait3A_125 = tpu.memref_slice %arg6[%dma_wait3A_122, %dma_wait3A_123, %dma_wait3A_124] : memref<6x128x128xf32, #tpu.memory_space<vmem>> -> memref<1x128x128xf32, #tpu.memory_space<vmem>>
    %dma_wait3A_126 = tpu.memref_squeeze %dma_wait3A_125 : memref<1x128x128xf32, #tpu.memory_space<vmem>> -> memref<128x128xf32, #tpu.memory_space<vmem>>
    %dma_wait3A_127 = arith.constant 5632 : i32
    %dma_wait3A_128 = tpu.memref_slice %arg5[%dma_wait3A_127] : memref<6400xi32, #tpu.memory_space<vmem>> -> memref<128xi32, #tpu.memory_space<vmem>>
    %dma_wait3A_129 = arith.constant 0 : i32
    %dma_wait3A_130 = arith.constant 0 : i32
    %dma_wait3A_131 = tpu.memref_slice %arg7[%dma_wait3A_129, %dma_wait3A_130] : memref<256x128xf32, #tpu.memory_space<vmem_shared>> -> memref<256x128xf32, #tpu.memory_space<vmem_shared>>
    tpu.wait_indirect_dma semaphore(%arg10 : memref<!tpu.dma_semaphore, #tpu.memory_space<semaphore_mem>>) src(%dma_wait3A_131 : memref<256x128xf32, #tpu.memory_space<vmem_shared>>) dst(%dma_wait3A_126 : memref<128x128xf32, #tpu.memory_space<vmem>>)
    %add3A_132 = arith.constant 5632 : i32
    %add3A_133 = arith.addi %mul3A_2, %add3A_132 : i32
    %dma_start3A_134 = arith.constant 2 : i32
    %dma_start3A_135 = arith.constant 0 : i32
    %dma_start3A_136 = arith.constant 0 : i32
    %dma_start3A_137 = tpu.memref_slice %arg6[%dma_start3A_134, %dma_start3A_135, %dma_start3A_136] : memref<6x128x128xf32, #tpu.memory_space<vmem>> -> memref<1x128x128xf32, #tpu.memory_space<vmem>>
    %dma_start3A_138 = tpu.memref_squeeze %dma_start3A_137 : memref<1x128x128xf32, #tpu.memory_space<vmem>> -> memref<128x128xf32, #tpu.memory_space<vmem>>
    %dma_start3A_139 = arith.constant 0 : i32
    %dma_start3A_140 = tpu.memref_slice %arg4[%add3A_133, %dma_start3A_139] : memref<204800x128xf32, #tpu.memory_space<hbm>> -> memref<128x128xf32, #tpu.memory_space<hbm>>
    %dma_start3A_141 = arith.constant 0 : i32
    %dma_start3A_142 = tpu.memref_slice %arg4[%add3A_133, %dma_start3A_141] : memref<204800x128xf32, #tpu.memory_space<hbm>> -> memref<128x128xf32, #tpu.memory_space<hbm>>
    %dma_start3A_143 = arith.constant 0 : i32
    %dma_start3A_144 = arith.constant 0 : i32
    %dma_start3A_145 = tpu.memref_slice %arg6[%dma_start3A_134, %dma_start3A_143, %dma_start3A_144] : memref<6x128x128xf32, #tpu.memory_space<vmem>> -> memref<1x128x128xf32, #tpu.memory_space<vmem>>
    %dma_start3A_146 = tpu.memref_squeeze %dma_start3A_145 : memref<1x128x128xf32, #tpu.memory_space<vmem>> -> memref<128x128xf32, #tpu.memory_space<vmem>>
    tpu.enqueue_dma source(%dma_start3A_146 : memref<128x128xf32, #tpu.memory_space<vmem>>) target(%dma_start3A_142 : memref<128x128xf32, #tpu.memory_space<hbm>>) target_semaphore(%arg16 : memref<!tpu.dma_semaphore, #tpu.memory_space<semaphore_mem>>)
    %dma_wait3A_147 = arith.constant 3 : i32
    %dma_wait3A_148 = arith.constant 0 : i32
    %dma_wait3A_149 = arith.constant 0 : i32
    %dma_wait3A_150 = tpu.memref_slice %arg6[%dma_wait3A_147, %dma_wait3A_148, %dma_wait3A_149] : memref<6x128x128xf32, #tpu.memory_space<vmem>> -> memref<1x128x128xf32, #tpu.memory_space<vmem>>
    %dma_wait3A_151 = tpu.memref_squeeze %dma_wait3A_150 : memref<1x128x128xf32, #tpu.memory_space<vmem>> -> memref<128x128xf32, #tpu.memory_space<vmem>>
    %dma_wait3A_152 = arith.constant 5760 : i32
    %dma_wait3A_153 = tpu.memref_slice %arg5[%dma_wait3A_152] : memref<6400xi32, #tpu.memory_space<vmem>> -> memref<128xi32, #tpu.memory_space<vmem>>
    %dma_wait3A_154 = arith.constant 0 : i32
    %dma_wait3A_155 = arith.constant 0 : i32
    %dma_wait3A_156 = tpu.memref_slice %arg7[%dma_wait3A_154, %dma_wait3A_155] : memref<256x128xf32, #tpu.memory_space<vmem_shared>> -> memref<256x128xf32, #tpu.memory_space<vmem_shared>>
    tpu.wait_indirect_dma semaphore(%arg11 : memref<!tpu.dma_semaphore, #tpu.memory_space<semaphore_mem>>) src(%dma_wait3A_156 : memref<256x128xf32, #tpu.memory_space<vmem_shared>>) dst(%dma_wait3A_151 : memref<128x128xf32, #tpu.memory_space<vmem>>)
    %add3A_157 = arith.constant 5760 : i32
    %add3A_158 = arith.addi %mul3A_2, %add3A_157 : i32
    %dma_start3A_159 = arith.constant 3 : i32
    %dma_start3A_160 = arith.constant 0 : i32
    %dma_start3A_161 = arith.constant 0 : i32
    %dma_start3A_162 = tpu.memref_slice %arg6[%dma_start3A_159, %dma_start3A_160, %dma_start3A_161] : memref<6x128x128xf32, #tpu.memory_space<vmem>> -> memref<1x128x128xf32, #tpu.memory_space<vmem>>
    %dma_start3A_163 = tpu.memref_squeeze %dma_start3A_162 : memref<1x128x128xf32, #tpu.memory_space<vmem>> -> memref<128x128xf32, #tpu.memory_space<vmem>>
    %dma_start3A_164 = arith.constant 0 : i32
    %dma_start3A_165 = tpu.memref_slice %arg4[%add3A_158, %dma_start3A_164] : memref<204800x128xf32, #tpu.memory_space<hbm>> -> memref<128x128xf32, #tpu.memory_space<hbm>>
    %dma_start3A_166 = arith.constant 0 : i32
    %dma_start3A_167 = tpu.memref_slice %arg4[%add3A_158, %dma_start3A_166] : memref<204800x128xf32, #tpu.memory_space<hbm>> -> memref<128x128xf32, #tpu.memory_space<hbm>>
    %dma_start3A_168 = arith.constant 0 : i32
    %dma_start3A_169 = arith.constant 0 : i32
    %dma_start3A_170 = tpu.memref_slice %arg6[%dma_start3A_159, %dma_start3A_168, %dma_start3A_169] : memref<6x128x128xf32, #tpu.memory_space<vmem>> -> memref<1x128x128xf32, #tpu.memory_space<vmem>>
    %dma_start3A_171 = tpu.memref_squeeze %dma_start3A_170 : memref<1x128x128xf32, #tpu.memory_space<vmem>> -> memref<128x128xf32, #tpu.memory_space<vmem>>
    tpu.enqueue_dma source(%dma_start3A_171 : memref<128x128xf32, #tpu.memory_space<vmem>>) target(%dma_start3A_167 : memref<128x128xf32, #tpu.memory_space<hbm>>) target_semaphore(%arg17 : memref<!tpu.dma_semaphore, #tpu.memory_space<semaphore_mem>>)
    %dma_wait3A_172 = arith.constant 4 : i32
    %dma_wait3A_173 = arith.constant 0 : i32
    %dma_wait3A_174 = arith.constant 0 : i32
    %dma_wait3A_175 = tpu.memref_slice %arg6[%dma_wait3A_172, %dma_wait3A_173, %dma_wait3A_174] : memref<6x128x128xf32, #tpu.memory_space<vmem>> -> memref<1x128x128xf32, #tpu.memory_space<vmem>>
    %dma_wait3A_176 = tpu.memref_squeeze %dma_wait3A_175 : memref<1x128x128xf32, #tpu.memory_space<vmem>> -> memref<128x128xf32, #tpu.memory_space<vmem>>
    %dma_wait3A_177 = arith.constant 5888 : i32
    %dma_wait3A_178 = tpu.memref_slice %arg5[%dma_wait3A_177] : memref<6400xi32, #tpu.memory_space<vmem>> -> memref<128xi32, #tpu.memory_space<vmem>>
    %dma_wait3A_179 = arith.constant 0 : i32
    %dma_wait3A_180 = arith.constant 0 : i32
    %dma_wait3A_181 = tpu.memref_slice %arg7[%dma_wait3A_179, %dma_wait3A_180] : memref<256x128xf32, #tpu.memory_space<vmem_shared>> -> memref<256x128xf32, #tpu.memory_space<vmem_shared>>
    tpu.wait_indirect_dma semaphore(%arg12 : memref<!tpu.dma_semaphore, #tpu.memory_space<semaphore_mem>>) src(%dma_wait3A_181 : memref<256x128xf32, #tpu.memory_space<vmem_shared>>) dst(%dma_wait3A_176 : memref<128x128xf32, #tpu.memory_space<vmem>>)
    %add3A_182 = arith.constant 5888 : i32
    %add3A_183 = arith.addi %mul3A_2, %add3A_182 : i32
    %dma_start3A_184 = arith.constant 4 : i32
    %dma_start3A_185 = arith.constant 0 : i32
    %dma_start3A_186 = arith.constant 0 : i32
    %dma_start3A_187 = tpu.memref_slice %arg6[%dma_start3A_184, %dma_start3A_185, %dma_start3A_186] : memref<6x128x128xf32, #tpu.memory_space<vmem>> -> memref<1x128x128xf32, #tpu.memory_space<vmem>>
    %dma_start3A_188 = tpu.memref_squeeze %dma_start3A_187 : memref<1x128x128xf32, #tpu.memory_space<vmem>> -> memref<128x128xf32, #tpu.memory_space<vmem>>
    %dma_start3A_189 = arith.constant 0 : i32
    %dma_start3A_190 = tpu.memref_slice %arg4[%add3A_183, %dma_start3A_189] : memref<204800x128xf32, #tpu.memory_space<hbm>> -> memref<128x128xf32, #tpu.memory_space<hbm>>
    %dma_start3A_191 = arith.constant 0 : i32
    %dma_start3A_192 = tpu.memref_slice %arg4[%add3A_183, %dma_start3A_191] : memref<204800x128xf32, #tpu.memory_space<hbm>> -> memref<128x128xf32, #tpu.memory_space<hbm>>
    %dma_start3A_193 = arith.constant 0 : i32
    %dma_start3A_194 = arith.constant 0 : i32
    %dma_start3A_195 = tpu.memref_slice %arg6[%dma_start3A_184, %dma_start3A_193, %dma_start3A_194] : memref<6x128x128xf32, #tpu.memory_space<vmem>> -> memref<1x128x128xf32, #tpu.memory_space<vmem>>
    %dma_start3A_196 = tpu.memref_squeeze %dma_start3A_195 : memref<1x128x128xf32, #tpu.memory_space<vmem>> -> memref<128x128xf32, #tpu.memory_space<vmem>>
    tpu.enqueue_dma source(%dma_start3A_196 : memref<128x128xf32, #tpu.memory_space<vmem>>) target(%dma_start3A_192 : memref<128x128xf32, #tpu.memory_space<hbm>>) target_semaphore(%arg18 : memref<!tpu.dma_semaphore, #tpu.memory_space<semaphore_mem>>)
    %dma_wait3A_197 = arith.constant 5 : i32
    %dma_wait3A_198 = arith.constant 0 : i32
    %dma_wait3A_199 = arith.constant 0 : i32
    %dma_wait3A_200 = tpu.memref_slice %arg6[%dma_wait3A_197, %dma_wait3A_198, %dma_wait3A_199] : memref<6x128x128xf32, #tpu.memory_space<vmem>> -> memref<1x128x128xf32, #tpu.memory_space<vmem>>
    %dma_wait3A_201 = tpu.memref_squeeze %dma_wait3A_200 : memref<1x128x128xf32, #tpu.memory_space<vmem>> -> memref<128x128xf32, #tpu.memory_space<vmem>>
    %dma_wait3A_202 = arith.constant 6016 : i32
    %dma_wait3A_203 = tpu.memref_slice %arg5[%dma_wait3A_202] : memref<6400xi32, #tpu.memory_space<vmem>> -> memref<128xi32, #tpu.memory_space<vmem>>
    %dma_wait3A_204 = arith.constant 0 : i32
    %dma_wait3A_205 = arith.constant 0 : i32
    %dma_wait3A_206 = tpu.memref_slice %arg7[%dma_wait3A_204, %dma_wait3A_205] : memref<256x128xf32, #tpu.memory_space<vmem_shared>> -> memref<256x128xf32, #tpu.memory_space<vmem_shared>>
    tpu.wait_indirect_dma semaphore(%arg13 : memref<!tpu.dma_semaphore, #tpu.memory_space<semaphore_mem>>) src(%dma_wait3A_206 : memref<256x128xf32, #tpu.memory_space<vmem_shared>>) dst(%dma_wait3A_201 : memref<128x128xf32, #tpu.memory_space<vmem>>)
    %add3A_207 = arith.constant 6016 : i32
    %add3A_208 = arith.addi %mul3A_2, %add3A_207 : i32
    %dma_start3A_209 = arith.constant 5 : i32
    %dma_start3A_210 = arith.constant 0 : i32
    %dma_start3A_211 = arith.constant 0 : i32
    %dma_start3A_212 = tpu.memref_slice %arg6[%dma_start3A_209, %dma_start3A_210, %dma_start3A_211] : memref<6x128x128xf32, #tpu.memory_space<vmem>> -> memref<1x128x128xf32, #tpu.memory_space<vmem>>
    %dma_start3A_213 = tpu.memref_squeeze %dma_start3A_212 : memref<1x128x128xf32, #tpu.memory_space<vmem>> -> memref<128x128xf32, #tpu.memory_space<vmem>>
    %dma_start3A_214 = arith.constant 0 : i32
    %dma_start3A_215 = tpu.memref_slice %arg4[%add3A_208, %dma_start3A_214] : memref<204800x128xf32, #tpu.memory_space<hbm>> -> memref<128x128xf32, #tpu.memory_space<hbm>>
    %dma_start3A_216 = arith.constant 0 : i32
    %dma_start3A_217 = tpu.memref_slice %arg4[%add3A_208, %dma_start3A_216] : memref<204800x128xf32, #tpu.memory_space<hbm>> -> memref<128x128xf32, #tpu.memory_space<hbm>>
    %dma_start3A_218 = arith.constant 0 : i32
    %dma_start3A_219 = arith.constant 0 : i32
    %dma_start3A_220 = tpu.memref_slice %arg6[%dma_start3A_209, %dma_start3A_218, %dma_start3A_219] : memref<6x128x128xf32, #tpu.memory_space<vmem>> -> memref<1x128x128xf32, #tpu.memory_space<vmem>>
    %dma_start3A_221 = tpu.memref_squeeze %dma_start3A_220 : memref<1x128x128xf32, #tpu.memory_space<vmem>> -> memref<128x128xf32, #tpu.memory_space<vmem>>
    tpu.enqueue_dma source(%dma_start3A_221 : memref<128x128xf32, #tpu.memory_space<vmem>>) target(%dma_start3A_217 : memref<128x128xf32, #tpu.memory_space<hbm>>) target_semaphore(%arg19 : memref<!tpu.dma_semaphore, #tpu.memory_space<semaphore_mem>>)
    %add3A_222 = arith.constant 5376 : i32
    %add3A_223 = arith.addi %mul3A_2, %add3A_222 : i32
    %dma_wait3A_224 = arith.constant 0 : i32
    %dma_wait3A_225 = arith.constant 0 : i32
    %dma_wait3A_226 = arith.constant 0 : i32
    %dma_wait3A_227 = tpu.memref_slice %arg6[%dma_wait3A_224, %dma_wait3A_225, %dma_wait3A_226] : memref<6x128x128xf32, #tpu.memory_space<vmem>> -> memref<1x128x128xf32, #tpu.memory_space<vmem>>
    %dma_wait3A_228 = tpu.memref_squeeze %dma_wait3A_227 : memref<1x128x128xf32, #tpu.memory_space<vmem>> -> memref<128x128xf32, #tpu.memory_space<vmem>>
    %dma_wait3A_229 = arith.constant 0 : i32
    %dma_wait3A_230 = tpu.memref_slice %arg4[%add3A_223, %dma_wait3A_229] : memref<204800x128xf32, #tpu.memory_space<hbm>> -> memref<128x128xf32, #tpu.memory_space<hbm>>
    %dma_wait3A_231 = arith.constant 0 : i32
    %dma_wait3A_232 = tpu.memref_slice %arg4[%add3A_223, %dma_wait3A_231] : memref<204800x128xf32, #tpu.memory_space<hbm>> -> memref<128x128xf32, #tpu.memory_space<hbm>>
    %dma_wait3A_233 = arith.constant 0 : i32
    %dma_wait3A_234 = arith.constant 0 : i32
    %dma_wait3A_235 = tpu.memref_slice %arg6[%dma_wait3A_224, %dma_wait3A_233, %dma_wait3A_234] : memref<6x128x128xf32, #tpu.memory_space<vmem>> -> memref<1x128x128xf32, #tpu.memory_space<vmem>>
    %dma_wait3A_236 = tpu.memref_squeeze %dma_wait3A_235 : memref<1x128x128xf32, #tpu.memory_space<vmem>> -> memref<128x128xf32, #tpu.memory_space<vmem>>
    tpu.wait_dma2 semaphore(%arg14 : memref<!tpu.dma_semaphore, #tpu.memory_space<semaphore_mem>>) src(%dma_wait3A_236 : memref<128x128xf32, #tpu.memory_space<vmem>>) dst(%dma_wait3A_232 : memref<128x128xf32, #tpu.memory_space<hbm>>)
    %dma_start3A_237 = arith.constant 0 : i32
    %dma_start3A_238 = arith.constant 0 : i32
    %dma_start3A_239 = arith.constant 0 : i32
    %dma_start3A_240 = tpu.memref_slice %arg6[%dma_start3A_237, %dma_start3A_238, %dma_start3A_239] : memref<6x128x128xf32, #tpu.memory_space<vmem>> -> memref<1x128x128xf32, #tpu.memory_space<vmem>>
    %dma_start3A_241 = tpu.memref_squeeze %dma_start3A_240 : memref<1x128x128xf32, #tpu.memory_space<vmem>> -> memref<128x128xf32, #tpu.memory_space<vmem>>
    %dma_start3A_242 = arith.constant 6144 : i32
    %dma_start3A_243 = tpu.memref_slice %arg5[%dma_start3A_242] : memref<6400xi32, #tpu.memory_space<vmem>> -> memref<128xi32, #tpu.memory_space<vmem>>
    %dma_start3A_244 = arith.constant 0 : i32
    %dma_start3A_245 = arith.constant 0 : i32
    %dma_start3A_246 = tpu.memref_slice %arg7[%dma_start3A_244, %dma_start3A_245] : memref<256x128xf32, #tpu.memory_space<vmem_shared>> -> memref<256x128xf32, #tpu.memory_space<vmem_shared>>
    tpu.enqueue_indirect_dma source(%dma_start3A_246 : memref<256x128xf32, #tpu.memory_space<vmem_shared>>) target(%dma_start3A_241 : memref<128x128xf32, #tpu.memory_space<vmem>>) offsets(%dma_start3A_243 : memref<128xi32, #tpu.memory_space<vmem>>) semaphore(%arg8 : memref<!tpu.dma_semaphore, #tpu.memory_space<semaphore_mem>>)
    %add3A_247 = arith.constant 5504 : i32
    %add3A_248 = arith.addi %mul3A_2, %add3A_247 : i32
    %dma_wait3A_249 = arith.constant 1 : i32
    %dma_wait3A_250 = arith.constant 0 : i32
    %dma_wait3A_251 = arith.constant 0 : i32
    %dma_wait3A_252 = tpu.memref_slice %arg6[%dma_wait3A_249, %dma_wait3A_250, %dma_wait3A_251] : memref<6x128x128xf32, #tpu.memory_space<vmem>> -> memref<1x128x128xf32, #tpu.memory_space<vmem>>
    %dma_wait3A_253 = tpu.memref_squeeze %dma_wait3A_252 : memref<1x128x128xf32, #tpu.memory_space<vmem>> -> memref<128x128xf32, #tpu.memory_space<vmem>>
    %dma_wait3A_254 = arith.constant 0 : i32
    %dma_wait3A_255 = tpu.memref_slice %arg4[%add3A_248, %dma_wait3A_254] : memref<204800x128xf32, #tpu.memory_space<hbm>> -> memref<128x128xf32, #tpu.memory_space<hbm>>
    %dma_wait3A_256 = arith.constant 0 : i32
    %dma_wait3A_257 = tpu.memref_slice %arg4[%add3A_248, %dma_wait3A_256] : memref<204800x128xf32, #tpu.memory_space<hbm>> -> memref<128x128xf32, #tpu.memory_space<hbm>>
    %dma_wait3A_258 = arith.constant 0 : i32
    %dma_wait3A_259 = arith.constant 0 : i32
    %dma_wait3A_260 = tpu.memref_slice %arg6[%dma_wait3A_249, %dma_wait3A_258, %dma_wait3A_259] : memref<6x128x128xf32, #tpu.memory_space<vmem>> -> memref<1x128x128xf32, #tpu.memory_space<vmem>>
    %dma_wait3A_261 = tpu.memref_squeeze %dma_wait3A_260 : memref<1x128x128xf32, #tpu.memory_space<vmem>> -> memref<128x128xf32, #tpu.memory_space<vmem>>
    tpu.wait_dma2 semaphore(%arg15 : memref<!tpu.dma_semaphore, #tpu.memory_space<semaphore_mem>>) src(%dma_wait3A_261 : memref<128x128xf32, #tpu.memory_space<vmem>>) dst(%dma_wait3A_257 : memref<128x128xf32, #tpu.memory_space<hbm>>)
    %dma_start3A_262 = arith.constant 1 : i32
    %dma_start3A_263 = arith.constant 0 : i32
    %dma_start3A_264 = arith.constant 0 : i32
    %dma_start3A_265 = tpu.memref_slice %arg6[%dma_start3A_262, %dma_start3A_263, %dma_start3A_264] : memref<6x128x128xf32, #tpu.memory_space<vmem>> -> memref<1x128x128xf32, #tpu.memory_space<vmem>>
    %dma_start3A_266 = tpu.memref_squeeze %dma_start3A_265 : memref<1x128x128xf32, #tpu.memory_space<vmem>> -> memref<128x128xf32, #tpu.memory_space<vmem>>
    %dma_start3A_267 = arith.constant 6272 : i32
    %dma_start3A_268 = tpu.memref_slice %arg5[%dma_start3A_267] : memref<6400xi32, #tpu.memory_space<vmem>> -> memref<128xi32, #tpu.memory_space<vmem>>
    %dma_start3A_269 = arith.constant 0 : i32
    %dma_start3A_270 = arith.constant 0 : i32
    %dma_start3A_271 = tpu.memref_slice %arg7[%dma_start3A_269, %dma_start3A_270] : memref<256x128xf32, #tpu.memory_space<vmem_shared>> -> memref<256x128xf32, #tpu.memory_space<vmem_shared>>
    tpu.enqueue_indirect_dma source(%dma_start3A_271 : memref<256x128xf32, #tpu.memory_space<vmem_shared>>) target(%dma_start3A_266 : memref<128x128xf32, #tpu.memory_space<vmem>>) offsets(%dma_start3A_268 : memref<128xi32, #tpu.memory_space<vmem>>) semaphore(%arg9 : memref<!tpu.dma_semaphore, #tpu.memory_space<semaphore_mem>>)
    %dma_wait3A_272 = arith.constant 0 : i32
    %dma_wait3A_273 = arith.constant 0 : i32
    %dma_wait3A_274 = arith.constant 0 : i32
    %dma_wait3A_275 = tpu.memref_slice %arg6[%dma_wait3A_272, %dma_wait3A_273, %dma_wait3A_274] : memref<6x128x128xf32, #tpu.memory_space<vmem>> -> memref<1x128x128xf32, #tpu.memory_space<vmem>>
    %dma_wait3A_276 = tpu.memref_squeeze %dma_wait3A_275 : memref<1x128x128xf32, #tpu.memory_space<vmem>> -> memref<128x128xf32, #tpu.memory_space<vmem>>
    %dma_wait3A_277 = arith.constant 6144 : i32
    %dma_wait3A_278 = tpu.memref_slice %arg5[%dma_wait3A_277] : memref<6400xi32, #tpu.memory_space<vmem>> -> memref<128xi32, #tpu.memory_space<vmem>>
    %dma_wait3A_279 = arith.constant 0 : i32
    %dma_wait3A_280 = arith.constant 0 : i32
    %dma_wait3A_281 = tpu.memref_slice %arg7[%dma_wait3A_279, %dma_wait3A_280] : memref<256x128xf32, #tpu.memory_space<vmem_shared>> -> memref<256x128xf32, #tpu.memory_space<vmem_shared>>
    tpu.wait_indirect_dma semaphore(%arg8 : memref<!tpu.dma_semaphore, #tpu.memory_space<semaphore_mem>>) src(%dma_wait3A_281 : memref<256x128xf32, #tpu.memory_space<vmem_shared>>) dst(%dma_wait3A_276 : memref<128x128xf32, #tpu.memory_space<vmem>>)
    %add3A_282 = arith.constant 6144 : i32
    %add3A_283 = arith.addi %mul3A_2, %add3A_282 : i32
    %dma_start3A_284 = arith.constant 0 : i32
    %dma_start3A_285 = arith.constant 0 : i32
    %dma_start3A_286 = arith.constant 0 : i32
    %dma_start3A_287 = tpu.memref_slice %arg6[%dma_start3A_284, %dma_start3A_285, %dma_start3A_286] : memref<6x128x128xf32, #tpu.memory_space<vmem>> -> memref<1x128x128xf32, #tpu.memory_space<vmem>>
    %dma_start3A_288 = tpu.memref_squeeze %dma_start3A_287 : memref<1x128x128xf32, #tpu.memory_space<vmem>> -> memref<128x128xf32, #tpu.memory_space<vmem>>
    %dma_start3A_289 = arith.constant 0 : i32
    %dma_start3A_290 = tpu.memref_slice %arg4[%add3A_283, %dma_start3A_289] : memref<204800x128xf32, #tpu.memory_space<hbm>> -> memref<128x128xf32, #tpu.memory_space<hbm>>
    %dma_start3A_291 = arith.constant 0 : i32
    %dma_start3A_292 = tpu.memref_slice %arg4[%add3A_283, %dma_start3A_291] : memref<204800x128xf32, #tpu.memory_space<hbm>> -> memref<128x128xf32, #tpu.memory_space<hbm>>
    %dma_start3A_293 = arith.constant 0 : i32
    %dma_start3A_294 = arith.constant 0 : i32
    %dma_start3A_295 = tpu.memref_slice %arg6[%dma_start3A_284, %dma_start3A_293, %dma_start3A_294] : memref<6x128x128xf32, #tpu.memory_space<vmem>> -> memref<1x128x128xf32, #tpu.memory_space<vmem>>
    %dma_start3A_296 = tpu.memref_squeeze %dma_start3A_295 : memref<1x128x128xf32, #tpu.memory_space<vmem>> -> memref<128x128xf32, #tpu.memory_space<vmem>>
    tpu.enqueue_dma source(%dma_start3A_296 : memref<128x128xf32, #tpu.memory_space<vmem>>) target(%dma_start3A_292 : memref<128x128xf32, #tpu.memory_space<hbm>>) target_semaphore(%arg14 : memref<!tpu.dma_semaphore, #tpu.memory_space<semaphore_mem>>)
    %dma_wait3A_297 = arith.constant 1 : i32
    %dma_wait3A_298 = arith.constant 0 : i32
    %dma_wait3A_299 = arith.constant 0 : i32
    %dma_wait3A_300 = tpu.memref_slice %arg6[%dma_wait3A_297, %dma_wait3A_298, %dma_wait3A_299] : memref<6x128x128xf32, #tpu.memory_space<vmem>> -> memref<1x128x128xf32, #tpu.memory_space<vmem>>
    %dma_wait3A_301 = tpu.memref_squeeze %dma_wait3A_300 : memref<1x128x128xf32, #tpu.memory_space<vmem>> -> memref<128x128xf32, #tpu.memory_space<vmem>>
    %dma_wait3A_302 = arith.constant 6272 : i32
    %dma_wait3A_303 = tpu.memref_slice %arg5[%dma_wait3A_302] : memref<6400xi32, #tpu.memory_space<vmem>> -> memref<128xi32, #tpu.memory_space<vmem>>
    %dma_wait3A_304 = arith.constant 0 : i32
    %dma_wait3A_305 = arith.constant 0 : i32
    %dma_wait3A_306 = tpu.memref_slice %arg7[%dma_wait3A_304, %dma_wait3A_305] : memref<256x128xf32, #tpu.memory_space<vmem_shared>> -> memref<256x128xf32, #tpu.memory_space<vmem_shared>>
    tpu.wait_indirect_dma semaphore(%arg9 : memref<!tpu.dma_semaphore, #tpu.memory_space<semaphore_mem>>) src(%dma_wait3A_306 : memref<256x128xf32, #tpu.memory_space<vmem_shared>>) dst(%dma_wait3A_301 : memref<128x128xf32, #tpu.memory_space<vmem>>)
    %add3A_307 = arith.constant 6272 : i32
    %add3A_308 = arith.addi %mul3A_2, %add3A_307 : i32
    %dma_start3A_309 = arith.constant 1 : i32
    %dma_start3A_310 = arith.constant 0 : i32
    %dma_start3A_311 = arith.constant 0 : i32
    %dma_start3A_312 = tpu.memref_slice %arg6[%dma_start3A_309, %dma_start3A_310, %dma_start3A_311] : memref<6x128x128xf32, #tpu.memory_space<vmem>> -> memref<1x128x128xf32, #tpu.memory_space<vmem>>
    %dma_start3A_313 = tpu.memref_squeeze %dma_start3A_312 : memref<1x128x128xf32, #tpu.memory_space<vmem>> -> memref<128x128xf32, #tpu.memory_space<vmem>>
    %dma_start3A_314 = arith.constant 0 : i32
    %dma_start3A_315 = tpu.memref_slice %arg4[%add3A_308, %dma_start3A_314] : memref<204800x128xf32, #tpu.memory_space<hbm>> -> memref<128x128xf32, #tpu.memory_space<hbm>>
    %dma_start3A_316 = arith.constant 0 : i32
    %dma_start3A_317 = tpu.memref_slice %arg4[%add3A_308, %dma_start3A_316] : memref<204800x128xf32, #tpu.memory_space<hbm>> -> memref<128x128xf32, #tpu.memory_space<hbm>>
    %dma_start3A_318 = arith.constant 0 : i32
    %dma_start3A_319 = arith.constant 0 : i32
    %dma_start3A_320 = tpu.memref_slice %arg6[%dma_start3A_309, %dma_start3A_318, %dma_start3A_319] : memref<6x128x128xf32, #tpu.memory_space<vmem>> -> memref<1x128x128xf32, #tpu.memory_space<vmem>>
    %dma_start3A_321 = tpu.memref_squeeze %dma_start3A_320 : memref<1x128x128xf32, #tpu.memory_space<vmem>> -> memref<128x128xf32, #tpu.memory_space<vmem>>
    tpu.enqueue_dma source(%dma_start3A_321 : memref<128x128xf32, #tpu.memory_space<vmem>>) target(%dma_start3A_317 : memref<128x128xf32, #tpu.memory_space<hbm>>) target_semaphore(%arg15 : memref<!tpu.dma_semaphore, #tpu.memory_space<semaphore_mem>>)
    %add3A_322 = arith.constant 5632 : i32
    %add3A_323 = arith.addi %mul3A_2, %add3A_322 : i32
    %dma_wait3A_324 = arith.constant 2 : i32
    %dma_wait3A_325 = arith.constant 0 : i32
    %dma_wait3A_326 = arith.constant 0 : i32
    %dma_wait3A_327 = tpu.memref_slice %arg6[%dma_wait3A_324, %dma_wait3A_325, %dma_wait3A_326] : memref<6x128x128xf32, #tpu.memory_space<vmem>> -> memref<1x128x128xf32, #tpu.memory_space<vmem>>
    %dma_wait3A_328 = tpu.memref_squeeze %dma_wait3A_327 : memref<1x128x128xf32, #tpu.memory_space<vmem>> -> memref<128x128xf32, #tpu.memory_space<vmem>>
    %dma_wait3A_329 = arith.constant 0 : i32
    %dma_wait3A_330 = tpu.memref_slice %arg4[%add3A_323, %dma_wait3A_329] : memref<204800x128xf32, #tpu.memory_space<hbm>> -> memref<128x128xf32, #tpu.memory_space<hbm>>
    %dma_wait3A_331 = arith.constant 0 : i32
    %dma_wait3A_332 = tpu.memref_slice %arg4[%add3A_323, %dma_wait3A_331] : memref<204800x128xf32, #tpu.memory_space<hbm>> -> memref<128x128xf32, #tpu.memory_space<hbm>>
    %dma_wait3A_333 = arith.constant 0 : i32
    %dma_wait3A_334 = arith.constant 0 : i32
    %dma_wait3A_335 = tpu.memref_slice %arg6[%dma_wait3A_324, %dma_wait3A_333, %dma_wait3A_334] : memref<6x128x128xf32, #tpu.memory_space<vmem>> -> memref<1x128x128xf32, #tpu.memory_space<vmem>>
    %dma_wait3A_336 = tpu.memref_squeeze %dma_wait3A_335 : memref<1x128x128xf32, #tpu.memory_space<vmem>> -> memref<128x128xf32, #tpu.memory_space<vmem>>
    tpu.wait_dma2 semaphore(%arg16 : memref<!tpu.dma_semaphore, #tpu.memory_space<semaphore_mem>>) src(%dma_wait3A_336 : memref<128x128xf32, #tpu.memory_space<vmem>>) dst(%dma_wait3A_332 : memref<128x128xf32, #tpu.memory_space<hbm>>)
    %add3A_337 = arith.constant 5760 : i32
    %add3A_338 = arith.addi %mul3A_2, %add3A_337 : i32
    %dma_wait3A_339 = arith.constant 3 : i32
    %dma_wait3A_340 = arith.constant 0 : i32
    %dma_wait3A_341 = arith.constant 0 : i32
    %dma_wait3A_342 = tpu.memref_slice %arg6[%dma_wait3A_339, %dma_wait3A_340, %dma_wait3A_341] : memref<6x128x128xf32, #tpu.memory_space<vmem>> -> memref<1x128x128xf32, #tpu.memory_space<vmem>>
    %dma_wait3A_343 = tpu.memref_squeeze %dma_wait3A_342 : memref<1x128x128xf32, #tpu.memory_space<vmem>> -> memref<128x128xf32, #tpu.memory_space<vmem>>
    %dma_wait3A_344 = arith.constant 0 : i32
    %dma_wait3A_345 = tpu.memref_slice %arg4[%add3A_338, %dma_wait3A_344] : memref<204800x128xf32, #tpu.memory_space<hbm>> -> memref<128x128xf32, #tpu.memory_space<hbm>>
    %dma_wait3A_346 = arith.constant 0 : i32
    %dma_wait3A_347 = tpu.memref_slice %arg4[%add3A_338, %dma_wait3A_346] : memref<204800x128xf32, #tpu.memory_space<hbm>> -> memref<128x128xf32, #tpu.memory_space<hbm>>
    %dma_wait3A_348 = arith.constant 0 : i32
    %dma_wait3A_349 = arith.constant 0 : i32
    %dma_wait3A_350 = tpu.memref_slice %arg6[%dma_wait3A_339, %dma_wait3A_348, %dma_wait3A_349] : memref<6x128x128xf32, #tpu.memory_space<vmem>> -> memref<1x128x128xf32, #tpu.memory_space<vmem>>
    %dma_wait3A_351 = tpu.memref_squeeze %dma_wait3A_350 : memref<1x128x128xf32, #tpu.memory_space<vmem>> -> memref<128x128xf32, #tpu.memory_space<vmem>>
    tpu.wait_dma2 semaphore(%arg17 : memref<!tpu.dma_semaphore, #tpu.memory_space<semaphore_mem>>) src(%dma_wait3A_351 : memref<128x128xf32, #tpu.memory_space<vmem>>) dst(%dma_wait3A_347 : memref<128x128xf32, #tpu.memory_space<hbm>>)
    %add3A_352 = arith.constant 5888 : i32
    %add3A_353 = arith.addi %mul3A_2, %add3A_352 : i32
    %dma_wait3A_354 = arith.constant 4 : i32
    %dma_wait3A_355 = arith.constant 0 : i32
    %dma_wait3A_356 = arith.constant 0 : i32
    %dma_wait3A_357 = tpu.memref_slice %arg6[%dma_wait3A_354, %dma_wait3A_355, %dma_wait3A_356] : memref<6x128x128xf32, #tpu.memory_space<vmem>> -> memref<1x128x128xf32, #tpu.memory_space<vmem>>
    %dma_wait3A_358 = tpu.memref_squeeze %dma_wait3A_357 : memref<1x128x128xf32, #tpu.memory_space<vmem>> -> memref<128x128xf32, #tpu.memory_space<vmem>>
    %dma_wait3A_359 = arith.constant 0 : i32
    %dma_wait3A_360 = tpu.memref_slice %arg4[%add3A_353, %dma_wait3A_359] : memref<204800x128xf32, #tpu.memory_space<hbm>> -> memref<128x128xf32, #tpu.memory_space<hbm>>
    %dma_wait3A_361 = arith.constant 0 : i32
    %dma_wait3A_362 = tpu.memref_slice %arg4[%add3A_353, %dma_wait3A_361] : memref<204800x128xf32, #tpu.memory_space<hbm>> -> memref<128x128xf32, #tpu.memory_space<hbm>>
    %dma_wait3A_363 = arith.constant 0 : i32
    %dma_wait3A_364 = arith.constant 0 : i32
    %dma_wait3A_365 = tpu.memref_slice %arg6[%dma_wait3A_354, %dma_wait3A_363, %dma_wait3A_364] : memref<6x128x128xf32, #tpu.memory_space<vmem>> -> memref<1x128x128xf32, #tpu.memory_space<vmem>>
    %dma_wait3A_366 = tpu.memref_squeeze %dma_wait3A_365 : memref<1x128x128xf32, #tpu.memory_space<vmem>> -> memref<128x128xf32, #tpu.memory_space<vmem>>
    tpu.wait_dma2 semaphore(%arg18 : memref<!tpu.dma_semaphore, #tpu.memory_space<semaphore_mem>>) src(%dma_wait3A_366 : memref<128x128xf32, #tpu.memory_space<vmem>>) dst(%dma_wait3A_362 : memref<128x128xf32, #tpu.memory_space<hbm>>)
    %add3A_367 = arith.constant 6016 : i32
    %add3A_368 = arith.addi %mul3A_2, %add3A_367 : i32
    %dma_wait3A_369 = arith.constant 5 : i32
    %dma_wait3A_370 = arith.constant 0 : i32
    %dma_wait3A_371 = arith.constant 0 : i32
    %dma_wait3A_372 = tpu.memref_slice %arg6[%dma_wait3A_369, %dma_wait3A_370, %dma_wait3A_371] : memref<6x128x128xf32, #tpu.memory_space<vmem>> -> memref<1x128x128xf32, #tpu.memory_space<vmem>>
    %dma_wait3A_373 = tpu.memref_squeeze %dma_wait3A_372 : memref<1x128x128xf32, #tpu.memory_space<vmem>> -> memref<128x128xf32, #tpu.memory_space<vmem>>
    %dma_wait3A_374 = arith.constant 0 : i32
    %dma_wait3A_375 = tpu.memref_slice %arg4[%add3A_368, %dma_wait3A_374] : memref<204800x128xf32, #tpu.memory_space<hbm>> -> memref<128x128xf32, #tpu.memory_space<hbm>>
    %dma_wait3A_376 = arith.constant 0 : i32
    %dma_wait3A_377 = tpu.memref_slice %arg4[%add3A_368, %dma_wait3A_376] : memref<204800x128xf32, #tpu.memory_space<hbm>> -> memref<128x128xf32, #tpu.memory_space<hbm>>
    %dma_wait3A_378 = arith.constant 0 : i32
    %dma_wait3A_379 = arith.constant 0 : i32
    %dma_wait3A_380 = tpu.memref_slice %arg6[%dma_wait3A_369, %dma_wait3A_378, %dma_wait3A_379] : memref<6x128x128xf32, #tpu.memory_space<vmem>> -> memref<1x128x128xf32, #tpu.memory_space<vmem>>
    %dma_wait3A_381 = tpu.memref_squeeze %dma_wait3A_380 : memref<1x128x128xf32, #tpu.memory_space<vmem>> -> memref<128x128xf32, #tpu.memory_space<vmem>>
    tpu.wait_dma2 semaphore(%arg19 : memref<!tpu.dma_semaphore, #tpu.memory_space<semaphore_mem>>) src(%dma_wait3A_381 : memref<128x128xf32, #tpu.memory_space<vmem>>) dst(%dma_wait3A_377 : memref<128x128xf32, #tpu.memory_space<hbm>>)
    %add3A_382 = arith.constant 6144 : i32
    %add3A_383 = arith.addi %mul3A_2, %add3A_382 : i32
    %dma_wait3A_384 = arith.constant 0 : i32
    %dma_wait3A_385 = arith.constant 0 : i32
    %dma_wait3A_386 = arith.constant 0 : i32
    %dma_wait3A_387 = tpu.memref_slice %arg6[%dma_wait3A_384, %dma_wait3A_385, %dma_wait3A_386] : memref<6x128x128xf32, #tpu.memory_space<vmem>> -> memref<1x128x128xf32, #tpu.memory_space<vmem>>
    %dma_wait3A_388 = tpu.memref_squeeze %dma_wait3A_387 : memref<1x128x128xf32, #tpu.memory_space<vmem>> -> memref<128x128xf32, #tpu.memory_space<vmem>>
    %dma_wait3A_389 = arith.constant 0 : i32
    %dma_wait3A_390 = tpu.memref_slice %arg4[%add3A_383, %dma_wait3A_389] : memref<204800x128xf32, #tpu.memory_space<hbm>> -> memref<128x128xf32, #tpu.memory_space<hbm>>
    %dma_wait3A_391 = arith.constant 0 : i32
    %dma_wait3A_392 = tpu.memref_slice %arg4[%add3A_383, %dma_wait3A_391] : memref<204800x128xf32, #tpu.memory_space<hbm>> -> memref<128x128xf32, #tpu.memory_space<hbm>>
    %dma_wait3A_393 = arith.constant 0 : i32
    %dma_wait3A_394 = arith.constant 0 : i32
    %dma_wait3A_395 = tpu.memref_slice %arg6[%dma_wait3A_384, %dma_wait3A_393, %dma_wait3A_394] : memref<6x128x128xf32, #tpu.memory_space<vmem>> -> memref<1x128x128xf32, #tpu.memory_space<vmem>>
    %dma_wait3A_396 = tpu.memref_squeeze %dma_wait3A_395 : memref<1x128x128xf32, #tpu.memory_space<vmem>> -> memref<128x128xf32, #tpu.memory_space<vmem>>
    tpu.wait_dma2 semaphore(%arg14 : memref<!tpu.dma_semaphore, #tpu.memory_space<semaphore_mem>>) src(%dma_wait3A_396 : memref<128x128xf32, #tpu.memory_space<vmem>>) dst(%dma_wait3A_392 : memref<128x128xf32, #tpu.memory_space<hbm>>)
    %add3A_397 = arith.constant 6272 : i32
    %add3A_398 = arith.addi %mul3A_2, %add3A_397 : i32
    %dma_wait3A_399 = arith.constant 1 : i32
    %dma_wait3A_400 = arith.constant 0 : i32
    %dma_wait3A_401 = arith.constant 0 : i32
    %dma_wait3A_402 = tpu.memref_slice %arg6[%dma_wait3A_399, %dma_wait3A_400, %dma_wait3A_401] : memref<6x128x128xf32, #tpu.memory_space<vmem>> -> memref<1x128x128xf32, #tpu.memory_space<vmem>>
    %dma_wait3A_403 = tpu.memref_squeeze %dma_wait3A_402 : memref<1x128x128xf32, #tpu.memory_space<vmem>> -> memref<128x128xf32, #tpu.memory_space<vmem>>
    %dma_wait3A_404 = arith.constant 0 : i32
    %dma_wait3A_405 = tpu.memref_slice %arg4[%add3A_398, %dma_wait3A_404] : memref<204800x128xf32, #tpu.memory_space<hbm>> -> memref<128x128xf32, #tpu.memory_space<hbm>>
    %dma_wait3A_406 = arith.constant 0 : i32
    %dma_wait3A_407 = tpu.memref_slice %arg4[%add3A_398, %dma_wait3A_406] : memref<204800x128xf32, #tpu.memory_space<hbm>> -> memref<128x128xf32, #tpu.memory_space<hbm>>
    %dma_wait3A_408 = arith.constant 0 : i32
    %dma_wait3A_409 = arith.constant 0 : i32
    %dma_wait3A_410 = tpu.memref_slice %arg6[%dma_wait3A_399, %dma_wait3A_408, %dma_wait3A_409] : memref<6x128x128xf32, #tpu.memory_space<vmem>> -> memref<1x128x128xf32, #tpu.memory_space<vmem>>
    %dma_wait3A_411 = tpu.memref_squeeze %dma_wait3A_410 : memref<1x128x128xf32, #tpu.memory_space<vmem>> -> memref<128x128xf32, #tpu.memory_space<vmem>>
    tpu.wait_dma2 semaphore(%arg15 : memref<!tpu.dma_semaphore, #tpu.memory_space<semaphore_mem>>) src(%dma_wait3A_411 : memref<128x128xf32, #tpu.memory_space<vmem>>) dst(%dma_wait3A_407 : memref<128x128xf32, #tpu.memory_space<hbm>>)
    return
  }
}

</mosaic_0001>

<sc_bundles>
// kernel: kernel.3.cloned.1.call-start
scs
__scs_entry_jumppad:
0x0: {  	(pc) =	sbr.rel $0x88, $3  }
0x1: {  	(tag) =	ssettag $0x0;
	lr =	simm.s32 $0x1  }
0x2: {  	[smem:$0x3F9F] =	sst lr;
	_ =	strace $0xD0000000  }
0x3: {  	_ = 	snop  }
0x4: {  	_ = 	snop  }
0x5: {  	_ = 	snop  }
0x6: {  	_ = 	snop  }
0x7: {  	_ = 	snop  }
__scs_overlays_trampoline_lowered:
0x8: {  	[smem:$0x3FAE] =	sst s0  }
0x9: {  	[smem:$0x3FAF] =	sst s1  }
0xa: {  	[smem:$0x3FB0] =	sst s2  }
0xb: {  	[smem:$0x3FB1] =	sst s3  }
0xc: {  	[smem:$0x3FB2] =	sst s4  }
0xd: {  	[smem:$0x3FB3] =	sst s5  }
0xe: {  	[smem:$0x3FB4] =	sst s6  }
0xf: {  	[smem:$0x3FB5] =	sst s7  }
0x10: {  	[smem:$0x3FB6] =	sst s8  }
0x11: {  	[smem:$0x3FB7] =	sst s9;
	s0 =	simm.s32 @!p0 $0x0  }
0x12: {  	s1 =	sld [smem:$0x3F9D];
	s0 =	simm.s32 @p0 $0x1  }
0x13: {  	[smem:$0x3FB8] =	sst s0;
	s0 =	simm.s32 @!p1 $0x0  }
0x14: {  	s2 =	sld [smem:$0x3F9C];
	s0 =	simm.s32 @p1 $0x1  }
0x15: {  	[smem:$0x3FB9] =	sst s0;
	s0 =	simm.s32 @!p2 $0x0  }
0x16: {  	s3 =	sld [smem:$0x3FDB];
	s0 =	simm.s32 @p2 $0x1  }
0x17: {  	s4 =	simm.s32 $0x1BF5;
	[smem:$0x3FBB] =	sst s0  }
0x18: {  	s0 =	sld [smem:$0x3F9E];
	_ =	swait.ge [sflag:s4], $0x0  }
0x19: {  	s7 =	sld [smem:$0x3F9F]  }
0x1a: {  	s8 =	sadd.s32 $0xFFFFE003, lr  }
0x1b: {  	s9 =	sadd.s32 $0xFFFFFEF7, lr;
	s5 =	simm.s32 $0xFFFFFFFF;
	p2 =	slt.u32 s8, $0xFFFFF086  }
0x1c: {  	p1 =	slt.u32 s9, $0xF7A;
	s5 =	simm.s32 @!p2 $0x0  }
0x1d: {  	s5 =	simm.s32 @p1 $0x1;
	p0 =	seq.s32 s7, s2  }
0x1e: {  	s7 =	smul.u32 @!p0 $0xF7A, s2;
	p2 =	seq.s32 @!p0 s5, $0x0  }
0x1f: {  	s9 =	smul.u32 $0xF7A, s1;
	s8 =	simm.s32 @!p0 $0x1BF5;
	p2 =	por !p2, p0  }
0x20: {  	[sflag:s8] =	ssyncset.s32 @!p0 $0xFFFFF086;
	s6 =	sadd.s32 @!p0 s3, s7;
	s7 =	simm.s32 @!p0 $0x108  }
0x21: {  	s3 =	sadd.s32 s3, s9;
	s6 =	sadd.s32 @!p0 $0x88, s6;
	s7 =	simm.s32 @p2 $0x1082  }
0x22: {  	[simem:s7], [sflag:s8] =	dma.local @!p0 [hbm:s6], $0xF7A  }
0x23: {  	s9 =	sor.u32 $0xD0000000, s2;
	s6 =	simm.s32 $0x108;
	_ =	swait.ge @!p0 [sflag:s8], $0x0  }
0x24: {  	s3 =	sadd.s32 $0x88, s3;
	s6 =	simm.s32 @!p1 $0x1082;
	[sflag:s4] =	ssyncset.s32 $0xFFFFF086  }
0x25: {  	[simem:s6], [sflag:s4] =	dma.local [hbm:s3], $0xF7A  }
0x26: {  	[smem:$0x3F9F] =	sst s1;
	(tag) =	ssettag s2;
	_ =	strace s9  }
0x27: {  	s1 =	sld [smem:$0x3FAF]  }
0x28: {  	s2 =	sld [smem:$0x3FB0]  }
0x29: {  	s4 =	sld [smem:$0x3FB2]  }
0x2a: {  	p0 =	seq.s32 s5, $0x0;
	s5 =	sld [smem:$0x3FB3]  }
0x2b: {  	s6 =	sld [smem:$0x3FB4]  }
0x2c: {  	s7 =	sld [smem:$0x3FB5]  }
0x2d: {  	s3 =	simm.s32 $0x108;
	s8 =	sld [smem:$0x3FB6]  }
0x2e: {  	s3 =	simm.s32 @!p0 $0x1082;
	s9 =	sld [smem:$0x3FB7]  }
0x2f: {  	lr =	sadd.s32 s0, s3;
	s0 =	sld [smem:$0x3FAE]  }
0x30: {  	s3 =	sld [smem:$0x3FB1]  }
0x31: {  	[smem:$0x3FBA] =	sst s10  }
0x32: {  	s10 =	sld [smem:$0x3FB8];
	_ =	sdelay $0x3  }
0x33: {  	p0 =	seq.s32 s10, $0x1;
	s10 =	sld [smem:$0x3FBA];
	_ =	sdelay $0x3  }
0x34: {  	[smem:$0x3FBA] =	sst s10  }
0x35: {  	s10 =	sld [smem:$0x3FB9];
	_ =	sdelay $0x3  }
0x36: {  	p1 =	seq.s32 s10, $0x1;
	s10 =	sld [smem:$0x3FBA];
	_ =	sdelay $0x3  }
0x37: {  	[smem:$0x3FBA] =	sst s10  }
0x38: {  	s10 =	sld [smem:$0x3FBB]  }
0x39: {  	_ = 	snop;
	(pc) =	sbr.ind lr, $3  }
0x3a: {  	_ = 	snop  }
0x3b: {  	_ = 	snop  }
0x3c: {  	p2 =	seq.s32 s10, $0x1;
	s10 =	sld [smem:$0x3FBA]  }
0x3d: {  	_ =	shalt  }
0x3e: {  	_ =	shalt  }
0x3f: {  	_ =	shalt  }
0x40: {  	_ =	shalt  }
0x41: {  	_ =	shalt  }
0x42: {  	_ =	shalt  }
0x43: {  	_ =	shalt  }
0x44: {  	_ =	shalt  }
0x45: {  	_ =	shalt  }
0x46: {  	_ =	shalt  }
0x47: {  	_ =	shalt  }
0x48: {  	_ =	shalt  }
0x49: {  	_ =	shalt  }
0x4a: {  	_ =	shalt  }
0x4b: {  	_ =	shalt  }
0x4c: {  	_ =	shalt  }
0x4d: {  	_ =	shalt  }
0x4e: {  	_ =	shalt  }
0x4f: {  	_ =	shalt  }
0x50: {  	_ =	shalt  }
0x51: {  	_ =	shalt  }
0x52: {  	_ =	shalt  }
0x53: {  	_ =	shalt  }
0x54: {  	_ =	shalt  }
0x55: {  	_ =	shalt  }
0x56: {  	_ =	shalt  }
0x57: {  	_ =	shalt  }
0x58: {  	_ =	shalt  }
0x59: {  	_ =	shalt  }
0x5a: {  	_ =	shalt  }
0x5b: {  	_ =	shalt  }
0x5c: {  	_ =	shalt  }
0x5d: {  	_ =	shalt  }
0x5e: {  	_ =	shalt  }
0x5f: {  	_ =	shalt  }
0x60: {  	_ =	shalt  }
0x61: {  	_ =	shalt  }
0x62: {  	_ =	shalt  }
0x63: {  	_ =	shalt  }
0x64: {  	_ =	shalt  }
0x65: {  	_ =	shalt  }
0x66: {  	_ =	shalt  }
0x67: {  	_ =	shalt  }
0x68: {  	_ =	shalt  }
0x69: {  	_ =	shalt  }
0x6a: {  	_ =	shalt  }
0x6b: {  	_ =	shalt  }
0x6c: {  	_ =	shalt  }
0x6d: {  	_ =	shalt  }
0x6e: {  	_ =	shalt  }
0x6f: {  	_ =	shalt  }
0x70: {  	_ =	shalt  }
0x71: {  	_ =	shalt  }
0x72: {  	_ =	shalt  }
0x73: {  	_ =	shalt  }
0x74: {  	_ =	shalt  }
0x75: {  	_ =	shalt  }
0x76: {  	_ =	shalt  }
0x77: {  	_ =	shalt  }
0x78: {  	_ =	shalt  }
0x79: {  	_ =	shalt  }
0x7a: {  	_ =	shalt  }
0x7b: {  	_ =	shalt  }
0x7c: {  	_ =	shalt  }
0x7d: {  	_ =	shalt  }
0x7e: {  	_ =	shalt  }
0x7f: {  	_ =	shalt  }
0x80: {  	_ =	shalt  }
0x81: {  	_ =	shalt  }
0x82: {  	_ =	shalt  }
0x83: {  	_ =	shalt  }
0x84: {  	_ =	shalt  }
0x85: {  	_ =	shalt  }
0x86: {  	_ =	shalt  }
0x87: {  	_ =	shalt  }
.Lfunc_end0:
.L_simem_size_0:
called_computation_lowered:
.L_overlay_start_0:
0x88: {  	s2 =	sld [smem:$0x3FD9]  }
0x89: {  	s3 =	sld [smem:$0x3FFE];
	_ =	sdelay $0x1  }
0x8a: {  	s1 =	srdreg.scid  }
0x8b: {  	s0 =	sand.u32 $0x1, s1  }
0x8c: {  	s17 =	sshll.u32 s0, $0xA;
	s2 =	sadd.s32 s3, s2  }
0x8d: {  	s2 =	sadd.s32 s2, s17  }
0x8e: {  	[smem:$0x3FC6] =	sst s2  }
0x8f: {  	_ = 	snop  }
0x90: {  	s2 =	sld [smem:$0x3FC8]  }
0x91: {  	s18 =	sld [smem:$0x3FD0];
	(tm) =	ssettm $0x1  }
0x92: {  	s4 =	sld [smem:$0x3FFB];
	_ =	sdelay $0x3  }
0x93: {  	_ =	strace s4  }
0x94: {  	s4 =	sld [smem:$0x3FFC];
	_ =	sdelay $0x3  }
0x95: {  	_ =	strace s4  }
0x96: {  	s4 =	sld [smem:$0x3FFD];
	_ =	sdelay $0x3  }
0x97: {  	_ =	strace s4  }
0x98: {  	_ =	strace $0x8FFFFFFF  }
0x99: {  	s19 =	sld [smem:$0x3FDB];
	_ =	sdelay $0x1  }
0x9a: {  	s5 =	simm.s32 $_scs_section_size  }
0x9b: {  	s6 =	simm.s32 $_size__tile_overlayer_lowered;
	s7 =	simm.s32 $_tile_overlayer_lowered  }
0x9c: {  	s22 =	simm.s32 $0x1BFF;
	s21 =	sshll.u32 s7, $0x1;
	s4 =	sadd.s32 s5, s19  }
0x9d: {  	s8 =	simm.s32 $0x0;
	s20 =	sshll.u32 s6, $0x1;
	s6 =	sadd.s32 s21, s4  }
0x9e: {  	[timem:s8], [sflag:s22] =	dma.local [hbm:s6], s20  }
0x9f: {  	_ =	swait.ge [sflag:s22], s20  }
0xa0: {  	s5 =	ssub.s32 $0x0, s20;
	[sflag:s22] =	ssyncset.done $0x0  }
0xa1: {  	[sflag:s22] =	ssyncadd.s32 s5;
	_ =	sdelay $0x1  }
0xa2: {  	s23 =	simm.s32 $0x1B8B  }
0xa3: {  	_ =	swait.ge [sflag:s23], $0x1  }
0xa4: {  	[sflag:s23] =	ssyncset.done $0x0  }
0xa5: {  	s25 =	simm.s32 $0x1B8E;
	s24 =	sld [smem:$0x3FFE];
	[sflag:s23] =	ssyncadd.s32 $0xFFFFFFFF  }
0xa6: {  	s26 =	simm.s32 $execute0_lowered;
	[smem:$0x3FD2] =	sst s25  }
0xa7: {  	s6 =	sshll.u32 s26, $0x1;
	_ =	strace $0x80000046;
	[dreg:$0x1] =	wrdreg $0xFFFFFFFF  }
0xa8: {  	s28 =	simm.s32 $_size_execute0_lowered;
	s4 =	sadd.s32 s4, s6;
	[dreg:$0x0] =	wrdreg $0x0  }
0xa9: {  	s6 =	sshll.u32 s28, $0x1;
	[dreg:$0x2] =	wrdreg s4  }
0xaa: {  	[dreg:$0x3] =	wrdreg s6  }
0xab: {  	[dreg:$0x4] =	wrdreg $0xC0  }
0xac: {  	_ =	task [dreg:s8], $0x5FFFF  }
0xad: {  	[dreg:$0x1] =	wrdreg $0xFFFFFFFF  }
0xae: {  	[dreg:$0x0] =	wrdreg $0x60  }
0xaf: {  	[dreg:$0x2] =	wrdreg s2  }
0xb0: {  	[dreg:$0x3] =	wrdreg s24  }
0xb1: {  	[dreg:$0x4] =	wrdreg s18  }
0xb2: {  	[dreg:$0x5] =	wrdreg $0x199000  }
0xb3: {  	[dreg:$0x6] =	wrdreg $0x9  }
0xb4: {  	_ =	task.clear_ibuf [dreg:s8], $0x7FFFF;
	_ =	strace $0x90000046  }
0xb5: {  	s29 =	simm.s32 $0x9;
	_ =	strace $0x80000048  }
0xb6: {  	_ =	swait.ge [sflag:s29], $0x1  }
0xb7: {  	[sflag:s29] =	ssyncadd.s32 $0xFFFFFFFF  }
0xb8: {  	_ =	strace $0x90000048  }
0xb9: {  	_ =	sfence  }
0xba: {  	s30 =	sld [smem:$0x0];
	_ =	sdelay $0x2  }
0xbb: {  	s31 =	sshll.u32 s1, $0xD;
	s1 =	sshrl.u32 s1, $0x2  }
0xbc: {  	s3 =	sand.u32 $0x4000, s31;
	s1 =	sadd.s32 s1, s30  }
0xbd: {  	s0 =	sor.u32 s3, s0;
	s1 =	sshll.u32 s1, $0x11  }
0xbe: {  	s0 =	sor.u32 s1, s0  }
0xbf: {  	s0 =	sadd.s32 $0x8F2B, s0  }
0xc0: {  	[sflag:s0] =	ssyncadd.remote.s32 $0x1  }
0xc1: {  	_ =	sfence.sel $0xFFFF  }
0xc2: {  	[dreg:$0x0] =	wrdreg $0xFFFFFFFF;
	(pc) =	sbr.abs _section_cstart, $3  }
0xc3: {  	[dreg:$0x1] =	wrdreg $0xFFFFFFFF  }
0xc4: {  	_ =	task.clear_ibuf [dreg:s8], $0x2FFFF;
	_ =	strace $0x9FFFFFFF  }
0xc5: {  	(tm) =	ssettm $0x7FFFFFFF  }
tec
execute0_lowered:
.L_overlay_start_1:
0x0: {  	(tag) =	ssettag $0x1  }
0x1: {  	s0 =	rddreg [dreg:$0x1]  }
0x2: {  	s1 =	srdreg.scid;
	s5 =	rddreg [dreg:$0x2]  }
0x3: {  	s4 =	stileid.u32;
	s2 =	rddreg [dreg:$0x3];
	s16 =	simm.s32 $0xD  }
0x4: {  	s17 =	simm.s32 $0x80;
	s28 =	simm.s32 $0x15900;
	s29 =	simm.s32 $0x1  }
0x5: {  	s30 =	simm.s32 $0x2;
	s1 =	sand.u32 $0x1, s1;
	s3 =	sshll.u32 s4, $0x1  }
0x6: {  	s31 =	simm.s32 $0x3;
	s22 =	smul.u32 $0x32000, s4;
	s6 =	sor.u32 s1, s3  }
0x7: {  	p0 =	sne.s32 s4, $0x0;
	s4 =	simm.s32 $0xA;
	s7 =	smul.u32 $0x1900, s6  }
0x8: {  	s3 =	simm.s32 $0x0;
	s8 =	ssub.s32 $0x2, s1;
	s6 =	smul.u32 $0xC8000, s6  }
0x9: {  	s1 =	smul.u32 $0x19000, s1;
	s15 =	sshrl.u32 @!p0 s2, $0x3;
	s7 =	sshrl.u32 s7, $0x3  }
0xa: {  	[smem:$0x7FF] =	sst s3;
	s6 =	sshrl.u32 s6, $0x3;
	s0 =	sadd.s32 s7, s0  }
0xb: {  	s18 =	sshrl.u32 s8, $0x1;
	s6 =	sadd.s32 s5, s6;
	s0 =	sadd.s32 $0x400, s0  }
0xc: {  	_ =	strace $0x80000047;
	s19 =	sadd.s32 $0x15000, s6;
	[dreg:$0x5] =	wrdreg s0  }
0xd: {  	s7 =	ssub.s32 s8, s18;
	s20 =	sadd.s32 $0x15800, s6;
	[dreg:$0x6] =	wrdreg s19  }
0xe: {  	s18 =	simm.s32 $0x1900;
	s21 =	sadd.s32 $0x16000, s6;
	[dreg:$0x7] =	wrdreg s20  }
0xf: {  	s23 =	sadd.s32 $0x16800, s6;
	s24 =	sadd.s32 $0x17000, s6;
	[dreg:$0x8] =	wrdreg s21  }
0x10: {  	s25 =	sadd.s32 $0x17800, s6;
	s26 =	sadd.s32 $0x18000, s6;
	[dreg:$0x9] =	wrdreg s23  }
0x11: {  	s12 =	sadd.s32 $0x18800, s6;
	s13 =	smax.u32 s7, $0x1;
	[dreg:$0xa] =	wrdreg s24  }
0x12: {  	s6 =	simm.s32 $0xC;
	s7 =	simm.s32 $0x0;
	[dreg:$0xb] =	wrdreg s25  }
0x13: {  	[dreg:$0xc] =	wrdreg s26;
	s0 =	sadd.s32 s22, s5;
	s19 =	simm.s32 $0x5900  }
0x14: {  	s21 =	simm.s32 $0x9900;
	s23 =	simm.s32 $0xD900;
	s25 =	simm.s32 $0x11900  }
0x15: {  	s20 =	simm.s32 $0x6;
	s22 =	simm.s32 $0x7;
	s24 =	simm.s32 $0x8  }
0x16: {  	s26 =	simm.s32 $0x9;
	s5 =	simm.s32 $0xB;
	s0 =	sadd.s32 s1, s0  }
0x17: {  	s1 =	simm.s32 $0x4;
	s14 =	sadd.s32 $0x2800, s0;
	s0 =	simm.s32 $0x5  }
.LBB2_1:
0x18: {  	s8 =	rddreg [dreg:$0x5]  }
0x19: {  	[tilespmem:s3], [sflag:$0xD] =	stream.linear.gather [hbm4b:s8+s3], $0x1900, $0x38;
	[tilespmem:$0x1A100] =	vst v63  }
0x1a: {  	s9 =	rddreg [dreg:$0x0];
	s8 =	simm.s32 @!p0 $0x1C0E  }
0x1b: {  	[spmem:s15], [sflag:s8] =	dma.local @!p0 [hbm:s9], $0x1000  }
0x1c: {  	s8 =	simm.s32 @!p0 $0xE  }
0x1d: {  	_ =	swait.ge @!p0 [sflag:s8], $0x1000  }
0x1e: {  	[sflag:s8] =	ssyncset.done @!p0 $0x0  }
0x1f: {  	[sflag:s8] =	ssyncadd.s32 @!p0 $0xFFFFF000  }
0x20: {  	_ =	swait.ge [sflag:s16], $0x1900  }
0x21: {  	[sflag:s16] =	ssyncset.done $0x0  }
0x22: {  	[sflag:s16] =	ssyncadd.s32 $0xFFFFE700  }
0x23: {  	[bflag:$0x0] =	sbarrier.arrive $0xFFFF  }
0x24: {  	[tilespmem:s18], [sflag:$0x1] =	stream.indirect.gather [spmem:s2], $0x80, s3, s17, $0xb8;
	[tilespmem:$0x1A100] =	vst v63  }
0x25: {  	_ = 	snop  }
0x26: {  	[tilespmem:s19], [sflag:$0x2] =	stream.indirect.gather [spmem:s2], $0x80, s17, s17, $0xb8;
	[tilespmem:$0x1A100] =	vst v63  }
0x27: {  	s10 =	simm.s32 $0x100  }
0x28: {  	[tilespmem:s21], [sflag:$0x3] =	stream.indirect.gather [spmem:s2], $0x80, s10, s17, $0xb8;
	[tilespmem:$0x1A100] =	vst v63  }
0x29: {  	s11 =	simm.s32 $0x180  }
0x2a: {  	[tilespmem:s23], [sflag:$0x4] =	stream.indirect.gather [spmem:s2], $0x80, s11, s17, $0xb8;
	[tilespmem:$0x1A100] =	vst v63  }
0x2b: {  	s9 =	simm.s32 $0x200  }
0x2c: {  	[tilespmem:s25], [sflag:$0x5] =	stream.indirect.gather [spmem:s2], $0x80, s9, s17, $0xb8;
	[tilespmem:$0x1A100] =	vst v63  }
0x2d: {  	s10 =	simm.s32 $0x280  }
0x2e: {  	[tilespmem:s28], [sflag:$0x6] =	stream.indirect.gather [spmem:s2], $0x80, s10, s17, $0xb8;
	[tilespmem:$0x1A100] =	vst v63  }
0x2f: {  	_ =	swait.ge [sflag:s29], $0x4000  }
0x30: {  	[sflag:s29] =	ssyncset.done $0x0  }
0x31: {  	s11 =	sadd.s32 $0xFFFFD800, s14;
	[sflag:s29] =	ssyncadd.s32 $0xFFFFC000  }
0x32: {  	[hbm4b:s11+s3] =	stream.linear.scatter [tilespmem:s18], [sflag:$0x7], $0x4000, $0x38;
	[tilespmem:$0x1A100] =	vst v63  }
0x33: {  	_ =	swait.ge [sflag:s30], $0x4000  }
0x34: {  	[sflag:s30] =	ssyncset.done $0x0  }
0x35: {  	s9 =	sadd.s32 $0xFFFFE000, s14;
	[sflag:s30] =	ssyncadd.s32 $0xFFFFC000  }
0x36: {  	[hbm4b:s9+s3] =	stream.linear.scatter [tilespmem:s19], [sflag:$0x8], $0x4000, $0x38;
	[tilespmem:$0x1A100] =	vst v63  }
0x37: {  	_ =	swait.ge [sflag:s31], $0x4000  }
0x38: {  	[sflag:s31] =	ssyncset.done $0x0  }
0x39: {  	s10 =	sadd.s32 $0xFFFFE800, s14;
	[sflag:s31] =	ssyncadd.s32 $0xFFFFC000  }
0x3a: {  	[hbm4b:s10+s3] =	stream.linear.scatter [tilespmem:s21], [sflag:$0x9], $0x4000, $0x38;
	[tilespmem:$0x1A100] =	vst v63  }
0x3b: {  	_ =	swait.ge [sflag:s1], $0x4000  }
0x3c: {  	[sflag:s1] =	ssyncset.done $0x0  }
0x3d: {  	s11 =	sadd.s32 $0xFFFFF000, s14;
	[sflag:s1] =	ssyncadd.s32 $0xFFFFC000  }
0x3e: {  	[hbm4b:s11+s3] =	stream.linear.scatter [tilespmem:s23], [sflag:$0xA], $0x4000, $0x38;
	[tilespmem:$0x1A100] =	vst v63  }
0x3f: {  	_ =	swait.ge [sflag:s0], $0x4000  }
0x40: {  	[sflag:s0] =	ssyncset.done $0x0  }
0x41: {  	s9 =	sadd.s32 $0xFFFFF800, s14;
	[sflag:s0] =	ssyncadd.s32 $0xFFFFC000  }
0x42: {  	[hbm4b:s9+s3] =	stream.linear.scatter [tilespmem:s25], [sflag:$0xB], $0x4000, $0x38;
	[tilespmem:$0x1A100] =	vst v63  }
0x43: {  	_ =	swait.ge [sflag:s20], $0x4000  }
0x44: {  	[sflag:s20] =	ssyncset.done $0x0  }
0x45: {  	[sflag:s20] =	ssyncadd.s32 $0xFFFFC000  }
0x46: {  	[hbm4b:s14+s3] =	stream.linear.scatter [tilespmem:s28], [sflag:$0xC], $0x4000, $0x38;
	[tilespmem:$0x1A100] =	vst v63  }
0x47: {  	_ =	swait.ge [sflag:s22], $0x4000  }
0x48: {  	[sflag:s22] =	ssyncset.done $0x0  }
0x49: {  	s10 =	simm.s32 $0x300;
	[sflag:s22] =	ssyncadd.s32 $0xFFFFC000  }
0x4a: {  	[tilespmem:s18], [sflag:$0x1] =	stream.indirect.gather [spmem:s2], $0x80, s10, s17, $0xb8;
	[tilespmem:$0x1A100] =	vst v63  }
0x4b: {  	_ =	swait.ge [sflag:s24], $0x4000  }
0x4c: {  	[sflag:s24] =	ssyncset.done $0x0  }
0x4d: {  	s11 =	simm.s32 $0x380;
	[sflag:s24] =	ssyncadd.s32 $0xFFFFC000  }
0x4e: {  	[tilespmem:s19], [sflag:$0x2] =	stream.indirect.gather [spmem:s2], $0x80, s11, s17, $0xb8;
	[tilespmem:$0x1A100] =	vst v63  }
0x4f: {  	_ =	swait.ge [sflag:s26], $0x4000  }
0x50: {  	[sflag:s26] =	ssyncset.done $0x0  }
0x51: {  	s9 =	simm.s32 $0x400;
	[sflag:s26] =	ssyncadd.s32 $0xFFFFC000  }
0x52: {  	[tilespmem:s21], [sflag:$0x3] =	stream.indirect.gather [spmem:s2], $0x80, s9, s17, $0xb8;
	[tilespmem:$0x1A100] =	vst v63  }
0x53: {  	_ =	swait.ge [sflag:s4], $0x4000  }
0x54: {  	[sflag:s4] =	ssyncset.done $0x0  }
0x55: {  	s10 =	simm.s32 $0x480;
	[sflag:s4] =	ssyncadd.s32 $0xFFFFC000  }
0x56: {  	[tilespmem:s23], [sflag:$0x4] =	stream.indirect.gather [spmem:s2], $0x80, s10, s17, $0xb8;
	[tilespmem:$0x1A100] =	vst v63  }
0x57: {  	_ =	swait.ge [sflag:s5], $0x4000  }
0x58: {  	[sflag:s5] =	ssyncset.done $0x0  }
0x59: {  	s11 =	simm.s32 $0x500;
	[sflag:s5] =	ssyncadd.s32 $0xFFFFC000  }
0x5a: {  	[tilespmem:s25], [sflag:$0x5] =	stream.indirect.gather [spmem:s2], $0x80, s11, s17, $0xb8;
	[tilespmem:$0x1A100] =	vst v63  }
0x5b: {  	_ =	swait.ge [sflag:s6], $0x4000  }
0x5c: {  	s8 =	simm.s32 $0xC00;
	[sflag:s6] =	ssyncset.done $0x0  }
0x5d: {  	s9 =	sadd.s32 $0x3000, s14;
	s10 =	simm.s32 $0x580;
	[sflag:s6] =	ssyncadd.s32 $0xFFFFC000  }
.LBB2_2:
0x5e: {  	[tilespmem:s28], [sflag:$0x6] =	stream.indirect.gather [spmem:s2], $0x80, s10, s17, $0xb8;
	[tilespmem:$0x1A100] =	vst v63  }
0x5f: {  	s10 =	smov.u32 s8  }
0x60: {  	p1 =	sne.s32 s8, $0x4800;
	s8 =	sadd.s32 $0xC00, s8;
	_ =	swait.ge [sflag:s29], $0x4000  }
0x61: {  	[sflag:s29] =	ssyncset.done $0x0  }
0x62: {  	s11 =	sadd.s32 $0xFFFFD800, s9;
	[sflag:s29] =	ssyncadd.s32 $0xFFFFC000  }
0x63: {  	[hbm4b:s11+s3] =	stream.linear.scatter [tilespmem:s18], [sflag:$0x7], $0x4000, $0x38;
	[tilespmem:$0x1A100] =	vst v63  }
0x64: {  	_ =	swait.ge [sflag:s30], $0x4000  }
0x65: {  	[sflag:s30] =	ssyncset.done $0x0  }
0x66: {  	s11 =	sadd.s32 $0xFFFFE000, s9;
	[sflag:s30] =	ssyncadd.s32 $0xFFFFC000  }
0x67: {  	[hbm4b:s11+s3] =	stream.linear.scatter [tilespmem:s19], [sflag:$0x8], $0x4000, $0x38;
	[tilespmem:$0x1A100] =	vst v63  }
0x68: {  	_ =	swait.ge [sflag:s31], $0x4000  }
0x69: {  	[sflag:s31] =	ssyncset.done $0x0  }
0x6a: {  	s11 =	sadd.s32 $0xFFFFE800, s9;
	[sflag:s31] =	ssyncadd.s32 $0xFFFFC000  }
0x6b: {  	[hbm4b:s11+s3] =	stream.linear.scatter [tilespmem:s21], [sflag:$0x9], $0x4000, $0x38;
	[tilespmem:$0x1A100] =	vst v63  }
0x6c: {  	_ =	swait.ge [sflag:s1], $0x4000  }
0x6d: {  	[sflag:s1] =	ssyncset.done $0x0  }
0x6e: {  	s11 =	sadd.s32 $0xFFFFF000, s9;
	[sflag:s1] =	ssyncadd.s32 $0xFFFFC000  }
0x6f: {  	[hbm4b:s11+s3] =	stream.linear.scatter [tilespmem:s23], [sflag:$0xA], $0x4000, $0x38;
	[tilespmem:$0x1A100] =	vst v63  }
0x70: {  	_ =	swait.ge [sflag:s0], $0x4000  }
0x71: {  	[sflag:s0] =	ssyncset.done $0x0  }
0x72: {  	s11 =	sadd.s32 $0xFFFFF800, s9;
	[sflag:s0] =	ssyncadd.s32 $0xFFFFC000  }
0x73: {  	[hbm4b:s11+s3] =	stream.linear.scatter [tilespmem:s25], [sflag:$0xB], $0x4000, $0x38;
	[tilespmem:$0x1A100] =	vst v63  }
0x74: {  	_ =	swait.ge [sflag:s20], $0x4000  }
0x75: {  	[sflag:s20] =	ssyncset.done $0x0  }
0x76: {  	[sflag:s20] =	ssyncadd.s32 $0xFFFFC000  }
0x77: {  	[hbm4b:s9+s3] =	stream.linear.scatter [tilespmem:s28], [sflag:$0xC], $0x4000, $0x38;
	[tilespmem:$0x1A100] =	vst v63  }
0x78: {  	_ =	swait.ge [sflag:s22], $0x4000  }
0x79: {  	s10 =	sshra.s32 s10, $0x2;
	[sflag:s22] =	ssyncset.done $0x0  }
0x7a: {  	s11 =	sadd.s32 $0x300, s10;
	[sflag:s22] =	ssyncadd.s32 $0xFFFFC000  }
0x7b: {  	[tilespmem:s18], [sflag:$0x1] =	stream.indirect.gather [spmem:s2], $0x80, s11, s17, $0xb8;
	[tilespmem:$0x1A100] =	vst v63  }
0x7c: {  	_ =	swait.ge [sflag:s24], $0x4000  }
0x7d: {  	[sflag:s24] =	ssyncset.done $0x0  }
0x7e: {  	s11 =	sadd.s32 $0x380, s10;
	[sflag:s24] =	ssyncadd.s32 $0xFFFFC000  }
0x7f: {  	[tilespmem:s19], [sflag:$0x2] =	stream.indirect.gather [spmem:s2], $0x80, s11, s17, $0xb8;
	[tilespmem:$0x1A100] =	vst v63  }
0x80: {  	_ =	swait.ge [sflag:s26], $0x4000  }
0x81: {  	[sflag:s26] =	ssyncset.done $0x0  }
0x82: {  	s11 =	sadd.s32 $0x400, s10;
	[sflag:s26] =	ssyncadd.s32 $0xFFFFC000  }
0x83: {  	[tilespmem:s21], [sflag:$0x3] =	stream.indirect.gather [spmem:s2], $0x80, s11, s17, $0xb8;
	[tilespmem:$0x1A100] =	vst v63  }
0x84: {  	_ =	swait.ge [sflag:s4], $0x4000  }
0x85: {  	[sflag:s4] =	ssyncset.done $0x0  }
0x86: {  	s11 =	sadd.s32 $0x480, s10;
	[sflag:s4] =	ssyncadd.s32 $0xFFFFC000  }
0x87: {  	[tilespmem:s23], [sflag:$0x4] =	stream.indirect.gather [spmem:s2], $0x80, s11, s17, $0xb8;
	[tilespmem:$0x1A100] =	vst v63  }
0x88: {  	_ =	swait.ge [sflag:s5], $0x4000  }
0x89: {  	[sflag:s5] =	ssyncset.done $0x0  }
.Ltmp0:
0x8a: {  	s11 =	sadd.s32 $0x500, s10;
	[sflag:s5] =	ssyncadd.s32 $0xFFFFC000;
	(pc) =	sbr.rel @p1 .LBB2_2-.Ltmp0, $4  }
0x8b: {  	[tilespmem:s25], [sflag:$0x5] =	stream.indirect.gather [spmem:s2], $0x80, s11, s17, $0xb8;
	[tilespmem:$0x1A100] =	vst v63  }
0x8c: {  	_ =	swait.ge [sflag:s6], $0x4000  }
0x8d: {  	[sflag:s6] =	ssyncset.done $0x0  }
0x8e: {  	s9 =	sadd.s32 $0x3000, s9;
	s10 =	sadd.s32 $0x580, s10;
	[sflag:s6] =	ssyncadd.s32 $0xFFFFC000  }
0x8f: {  	[tilespmem:s28], [sflag:$0x6] =	stream.indirect.gather [spmem:s2], $0x80, s10, s17, $0xb8;
	[tilespmem:$0x1A100] =	vst v63  }
0x90: {  	_ =	swait.ge [sflag:s29], $0x4000  }
0x91: {  	[sflag:s29] =	ssyncset.done $0x0  }
0x92: {  	s8 =	rddreg [dreg:$0x6];
	[sflag:s29] =	ssyncadd.s32 $0xFFFFC000  }
0x93: {  	[hbm4b:s8+s3] =	stream.linear.scatter [tilespmem:s18], [sflag:$0x7], $0x4000, $0x38;
	[tilespmem:$0x1A100] =	vst v63  }
0x94: {  	_ =	swait.ge [sflag:s30], $0x4000  }
0x95: {  	[sflag:s30] =	ssyncset.done $0x0  }
0x96: {  	s10 =	rddreg [dreg:$0x7];
	[sflag:s30] =	ssyncadd.s32 $0xFFFFC000  }
0x97: {  	[hbm4b:s10+s3] =	stream.linear.scatter [tilespmem:s19], [sflag:$0x8], $0x4000, $0x38;
	[tilespmem:$0x1A100] =	vst v63  }
0x98: {  	_ =	swait.ge [sflag:s31], $0x4000  }
0x99: {  	[sflag:s31] =	ssyncset.done $0x0  }
0x9a: {  	s11 =	rddreg [dreg:$0x8];
	[sflag:s31] =	ssyncadd.s32 $0xFFFFC000  }
0x9b: {  	[hbm4b:s11+s3] =	stream.linear.scatter [tilespmem:s21], [sflag:$0x9], $0x4000, $0x38;
	[tilespmem:$0x1A100] =	vst v63  }
0x9c: {  	_ =	swait.ge [sflag:s1], $0x4000  }
0x9d: {  	[sflag:s1] =	ssyncset.done $0x0  }
0x9e: {  	s9 =	rddreg [dreg:$0x9];
	[sflag:s1] =	ssyncadd.s32 $0xFFFFC000  }
0x9f: {  	[hbm4b:s9+s3] =	stream.linear.scatter [tilespmem:s23], [sflag:$0xA], $0x4000, $0x38;
	[tilespmem:$0x1A100] =	vst v63  }
0xa0: {  	_ =	swait.ge [sflag:s0], $0x4000  }
0xa1: {  	[sflag:s0] =	ssyncset.done $0x0  }
0xa2: {  	s10 =	rddreg [dreg:$0xa];
	[sflag:s0] =	ssyncadd.s32 $0xFFFFC000  }
0xa3: {  	[hbm4b:s10+s3] =	stream.linear.scatter [tilespmem:s25], [sflag:$0xB], $0x4000, $0x38;
	[tilespmem:$0x1A100] =	vst v63  }
0xa4: {  	_ =	swait.ge [sflag:s20], $0x4000  }
0xa5: {  	[sflag:s20] =	ssyncset.done $0x0  }
0xa6: {  	s11 =	rddreg [dreg:$0xb];
	[sflag:s20] =	ssyncadd.s32 $0xFFFFC000  }
0xa7: {  	[hbm4b:s11+s3] =	stream.linear.scatter [tilespmem:s28], [sflag:$0xC], $0x4000, $0x38;
	[tilespmem:$0x1A100] =	vst v63  }
0xa8: {  	_ =	swait.ge [sflag:s22], $0x4000  }
0xa9: {  	[sflag:s22] =	ssyncset.done $0x0  }
0xaa: {  	s9 =	simm.s32 $0x1800;
	[sflag:s22] =	ssyncadd.s32 $0xFFFFC000  }
0xab: {  	[tilespmem:s18], [sflag:$0x1] =	stream.indirect.gather [spmem:s2], $0x80, s9, s17, $0xb8;
	[tilespmem:$0x1A100] =	vst v63  }
0xac: {  	_ =	swait.ge [sflag:s24], $0x4000  }
0xad: {  	[sflag:s24] =	ssyncset.done $0x0  }
0xae: {  	s10 =	simm.s32 $0x1880;
	[sflag:s24] =	ssyncadd.s32 $0xFFFFC000  }
0xaf: {  	[tilespmem:s19], [sflag:$0x2] =	stream.indirect.gather [spmem:s2], $0x80, s10, s17, $0xb8;
	[tilespmem:$0x1A100] =	vst v63  }
0xb0: {  	_ =	swait.ge [sflag:s29], $0x4000  }
0xb1: {  	[sflag:s29] =	ssyncset.done $0x0  }
0xb2: {  	s11 =	rddreg [dreg:$0xc];
	[sflag:s29] =	ssyncadd.s32 $0xFFFFC000  }
0xb3: {  	[hbm4b:s11+s3] =	stream.linear.scatter [tilespmem:s18], [sflag:$0x7], $0x4000, $0x38;
	[tilespmem:$0x1A100] =	vst v63  }
0xb4: {  	_ =	swait.ge [sflag:s30], $0x4000  }
0xb5: {  	[sflag:s30] =	ssyncset.done $0x0  }
0xb6: {  	[sflag:s30] =	ssyncadd.s32 $0xFFFFC000  }
0xb7: {  	[hbm4b:s12+s3] =	stream.linear.scatter [tilespmem:s19], [sflag:$0x8], $0x4000, $0x38;
	[tilespmem:$0x1A100] =	vst v63  }
0xb8: {  	_ =	swait.ge [sflag:s26], $0x4000  }
0xb9: {  	[sflag:s26] =	ssyncset.done $0x0  }
0xba: {  	[sflag:s26] =	ssyncadd.s32 $0xFFFFC000  }
0xbb: {  	_ =	swait.ge [sflag:s4], $0x4000  }
0xbc: {  	[sflag:s4] =	ssyncset.done $0x0  }
0xbd: {  	[sflag:s4] =	ssyncadd.s32 $0xFFFFC000  }
0xbe: {  	_ =	swait.ge [sflag:s5], $0x4000  }
0xbf: {  	[sflag:s5] =	ssyncset.done $0x0  }
0xc0: {  	[sflag:s5] =	ssyncadd.s32 $0xFFFFC000  }
0xc1: {  	_ =	swait.ge [sflag:s6], $0x4000  }
0xc2: {  	[sflag:s6] =	ssyncset.done $0x0  }
0xc3: {  	s7 =	sadd.s32 $0x1, s7;
	[sflag:s6] =	ssyncadd.s32 $0xFFFFC000  }
0xc4: {  	p1 =	sne.s32 s7, s13;
	_ =	swait.ge [sflag:s22], $0x4000  }
.Ltmp1:
0xc5: {  	[sflag:s22] =	ssyncset.done $0x0;
	(pc) =	sbr.rel @p1 .LBB2_1-.Ltmp1, $4  }
0xc6: {  	[sflag:s22] =	ssyncadd.s32 $0xFFFFC000  }
0xc7: {  	_ =	swait.ge [sflag:s24], $0x4000  }
0xc8: {  	[sflag:s24] =	ssyncset.done $0x0  }
0xc9: {  	[sflag:s24] =	ssyncadd.s32 $0xFFFFC000  }
0xca: {  	_ =	sfence.sel $0x180000  }
0xcb: {  	[bflag:$0x0] =	sbarrier.arrive $0xFFFF  }
0xcc: {  	_ =	strace $0x90000047  }
0xcd: {  	[bflag:$0x2] =	sbarrier.arrive $0xFFFF  }
0xce: {  	s0 =	rddreg [dreg:$0x4]  }
0xcf: {  	s0 =	sadd.s32 @!p0 $0x100000, s0  }
0xd0: {  	[sflag:s0] =	ssyncadd.tile.s32 @!p0 $0x1;
	_ =	shalt  }
.Lfunc_end2:
_tile_overlayer_lowered:
.L_overlay_start_2:
0xd1: {  	(tag) =	ssettag $0x2  }
0xd2: {  	s0 =	rddreg [dreg:$0x0];
	s2 =	stileid.u32  }
0xd3: {  	s1 =	rddreg [dreg:$0x1];
	p0 =	sne.s32 s2, $0x0  }
0xd4: {  	s3 =	rddreg [dreg:$0x2];
	[bflag:$0x3] =	sbarrier.arrive $0xFFFF;
	s2 =	simm.s32 @!p0 $0x1C0E  }
0xd5: {  	[timem:s3], [sflag:s2] =	dma.local @!p0 [hbm:s0], s1  }
0xd6: {  	s0 =	simm.s32 @!p0 $0xE  }
0xd7: {  	_ =	swait.ge @!p0 [sflag:s0], s1  }
0xd8: {  	s1 =	ssub.s32 @!p0 $0x0, s1;
	[sflag:s0] =	ssyncset.done @!p0 $0x0  }
0xd9: {  	[sflag:s0] =	ssyncadd.s32 @!p0 s1  }
0xda: {  	[bflag:$0x3] =	sbarrier.arrive $0xFFFF  }
0xdb: {  	_ =	shalt  }

</sc_bundles>
